<compile_context>
chip_gen: v7x
topology: tpu7x:2x2x1
jax: 0.10.2.dev20260603
libtpu: 0.0.44.dev20260713+nightly
codegen_flags: <defaults>
</compile_context>

<pallas_src>
import functools

import jax
import jax.numpy as jnp
from jax import lax
from jax.experimental import pallas as pl
from jax.experimental.pallas import tpu as pltpu
from jax.experimental.pallas import tpu_sc as plsc

B, L, D, V = 1024, 200, 128, 128
NC, NS, LANES = 2, 16, 16
COLS_PER_SC = B // NC
CT_PER_SC = COLS_PER_SC // 128
WPT = NS // CT_PER_SC
RG_ROWS = (56, 48, 48, 48)
RG_R0 = (0, 56, 104, 152)


def _sc_col_sums(ids_t, mask_t, table):
    mesh = plsc.VectorSubcoreMesh(core_axis_name="c", subcore_axis_name="s")

    @functools.partial(
        pl.kernel,
        out_type=jax.ShapeDtypeStruct((B,), jnp.float32),
        mesh=mesh,
        scratch_types=[
            pltpu.VMEM((RG_ROWS[0], 128), jnp.int32),
            pltpu.VMEM((RG_ROWS[0], 128), jnp.float32),
            pltpu.VMEM((V,), jnp.float32),
            pltpu.VMEM((WPT, 128), jnp.float32),
            pltpu.VMEM((128,), jnp.float32),
            pltpu.VMEM_SHARED((NS, 128), jnp.float32),
        ],
        compiler_params=pltpu.CompilerParams(needs_layout_passes=False),
    )
    def run(ids_hbm, mask_hbm, table_hbm, sums_hbm,
            ids_v, mask_v, table_v, red_v, out_v, shared):
        c = lax.axis_index("c")
        s = lax.axis_index("s")
        ti = s // WPT
        rg = s % WPT
        col0 = c * COLS_PER_SC + ti * 128

        pltpu.sync_copy(table_hbm, table_v)

        for g in range(WPT):
            @pl.when(rg == g)
            def _():
                pltpu.sync_copy(
                    ids_hbm.at[pl.ds(RG_R0[g], RG_ROWS[g]), pl.ds(col0, 128)],
                    ids_v.at[pl.ds(0, RG_ROWS[g])],
                )
                pltpu.sync_copy(
                    mask_hbm.at[pl.ds(RG_R0[g], RG_ROWS[g]), pl.ds(col0, 128)],
                    mask_v.at[pl.ds(0, RG_ROWS[g])],
                )

        nrows = jnp.where(rg == 0, RG_ROWS[0], RG_ROWS[1])

        def rowstep(r, acc):
            new = []
            for j in range(8):
                sl = pl.ds(j * LANES, LANES)
                g = plsc.load_gather(table_v, [ids_v[r, sl]])
                new.append(acc[j] + g * mask_v[r, sl])
            return tuple(new)

        acc0 = tuple(jnp.zeros((LANES,), jnp.float32) for _ in range(8))
        acc = lax.fori_loop(0, nrows, rowstep, acc0)

        for j in range(8):
            out_v[pl.ds(j * LANES, LANES)] = acc[j]
        pltpu.sync_copy(out_v, shared.at[s])
        plsc.subcore_barrier()

        @pl.when(rg == 0)
        def _():
            pltpu.sync_copy(shared.at[pl.ds(ti * WPT, WPT)], red_v)
            for j in range(8):
                sl = pl.ds(j * LANES, LANES)
                tot = red_v[0, sl] + red_v[1, sl] + red_v[2, sl] + red_v[3, sl]
                out_v[sl] = tot
            pltpu.sync_copy(out_v, sums_hbm.at[pl.ds(col0, 128)])

    return run(ids_t, mask_t, table)


def _tc_out(table_row, ids_t, mask_t, emb):
    bB = 128
    grid = (B // bB,)

    def body(tbl_ref, ids_ref, m_ref, emb_ref, out_ref):
        tbl_b = jnp.broadcast_to(tbl_ref[...], (L, V))
        w2t = jnp.take_along_axis(tbl_b, ids_ref[...], axis=1)
        w2t = w2t * m_ref[...]
        w2 = jnp.transpose(w2t)
        out_ref[...] = emb_ref[...] * w2[:, :, None]

    return pl.pallas_call(
        body,
        grid=grid,
        in_specs=[
            pl.BlockSpec((1, V), lambda i: (0, 0)),
            pl.BlockSpec((L, bB), lambda i: (0, i)),
            pl.BlockSpec((L, bB), lambda i: (0, i)),
            pl.BlockSpec((bB, L, D), lambda i: (i, 0, 0)),
        ],
        out_specs=pl.BlockSpec((bB, L, D), lambda i: (i, 0, 0)),
        out_shape=jax.ShapeDtypeStruct((B, L, D), jnp.float32),
        compiler_params=pltpu.CompilerParams(
            dimension_semantics=("arbitrary",),
            vmem_limit_bytes=110 * 1024 * 1024,
        ),
    )(table_row, ids_t, mask_t, emb)


def kernel(input_ids, attention_mask, token_embeddings, emb_weight):
    ids_t = input_ids.T
    mask_t = attention_mask.T
    out = _tc_out(emb_weight.T, ids_t, mask_t, token_embeddings)
    sums = _sc_col_sums(ids_t, mask_t, emb_weight.reshape(V))
    return out, sums

# --- scband reference (transcript-rebuilt; emitter-appended) ---
"""Pipeline reference for scband-word-weights-70660801954447 (READ-ONLY COPY).

The authoritative reference and input builder live on the scoring server;
editing this copy changes nothing except your own understanding.
"""

import jax, jax.numpy as jnp
import numpy as np

B, L, D, V = 1024, 200, 128, 128

def setup_inputs(seed: int = 0) -> dict:
    key = jax.random.key(seed)
    k1, k2, k3 = jax.random.split(key, 3)
    input_ids = jax.random.randint(k1, (B, L), 0, V)
    attention_mask = jnp.ones((B, L), dtype=jnp.float32)
    token_embeddings = jax.random.normal(k2, (B, L, D), dtype=jnp.float32)
    # learned per-token weight table, nn.Embedding(len(vocab), 1)
    emb_weight = jax.random.uniform(k3, (V, 1), dtype=jnp.float32, minval=0.1, maxval=2.0)
    return {"input_ids": input_ids, "attention_mask": attention_mask,
            "token_embeddings": token_embeddings, "emb_weight": emb_weight}

def reference(input_ids, attention_mask, token_embeddings, emb_weight):
    # token_weights_raw = self.emb_layer(input_ids).squeeze(-1)
    token_weights_raw = jnp.take(emb_weight, input_ids, axis=0).squeeze(-1)
    # token_weights = token_weights_raw * attention_mask.float()
    token_weights = token_weights_raw * attention_mask
    # token_weights_sum = torch.sum(token_weights, 1)
    token_weights_sum = jnp.sum(token_weights, axis=1)
    # token_embeddings * token_weights.unsqueeze(-1).expand(...)
    out = token_embeddings * token_weights[..., None]
    return out, token_weights_sum

if __name__ == "__main__":
    import jax
    _d = setup_inputs()
    print(jax.jit(kernel)(*tuple(_d.values())))

</pallas_src>

<mosaic_0001>
#map = affine_map<(d0, d1) -> (0, 0)>
#map1 = affine_map<(d0, d1) -> (0)>
module attributes {stable_mosaic.version = 14 : i64} {
  func.func @run(%arg0: i32, %arg1: i32, %arg2: memref<200x1024xi32, #tpu.memory_space<hbm>>, %arg3: memref<200x1024xf32, #tpu.memory_space<hbm>>, %arg4: memref<128xf32, #tpu.memory_space<hbm>>, %arg5: memref<1024xf32, #tpu.memory_space<hbm>>, %arg6: memref<56x128xi32, #tpu.memory_space<vmem>>, %arg7: memref<56x128xf32, #tpu.memory_space<vmem>>, %arg8: memref<128xf32, #tpu.memory_space<vmem>>, %arg9: memref<4x128xf32, #tpu.memory_space<vmem>>, %arg10: memref<128xf32, #tpu.memory_space<vmem>>, %arg11: memref<16x128xf32, #tpu.memory_space<vmem_shared>>) attributes {dimension_semantics = [#tpu.dimension_semantics<core_parallel>, #tpu.dimension_semantics<subcore_parallel>], iteration_bounds = array<i64: 2, 16>, scalar_prefetch = 0 : i64, scratch_operands = 6 : i64, tpu.core_type = #tpu.core_type<sc_vector_subcore>, window_params = [{transform_indices = #map}, {transform_indices = #map}, {transform_indices = #map1}, {transform_indices = #map1}]} {
    %jit3A = arith.constant 4 : i32
    %div3A = arith.divsi %arg1, %jit3A : i32
    %sign3A = arith.constant 0 : i32
    %sign3A_0 = arith.cmpi sgt, %arg1, %sign3A : i32
    %sign3A_1 = arith.extui %sign3A_0 : i1 to i32
    %sign3A_2 = arith.constant 0 : i32
    %sign3A_3 = arith.cmpi slt, %arg1, %sign3A_2 : i32
    %sign3A_4 = arith.extui %sign3A_3 : i1 to i32
    %sign3A_5 = arith.subi %sign3A_1, %sign3A_4 : i32
    %sign3A_6 = arith.constant 0 : i32
    %sign3A_7 = arith.cmpi sgt, %jit3A, %sign3A_6 : i32
    %sign3A_8 = arith.extui %sign3A_7 : i1 to i32
    %sign3A_9 = arith.constant 0 : i32
    %sign3A_10 = arith.cmpi slt, %jit3A, %sign3A_9 : i32
    %sign3A_11 = arith.extui %sign3A_10 : i1 to i32
    %sign3A_12 = arith.subi %sign3A_8, %sign3A_11 : i32
    %ne3A = arith.cmpi ne, %sign3A_5, %sign3A_12 : i32
    %rem3A = arith.remsi %arg1, %jit3A : i32
    %ne3A_13 = arith.constant 0 : i32
    %ne3A_14 = arith.cmpi ne, %rem3A, %ne3A_13 : i32
    %and3A = arith.andi %ne3A, %ne3A_14 : i1
    %sub3A = arith.constant 1 : i32
    %sub3A_15 = arith.subi %div3A, %sub3A : i32
    %select_n3A = arith.select %and3A, %sub3A_15, %div3A : i32
    %jit3A_16 = arith.constant 4 : i32
    %eq3A = arith.constant 0 : i32
    %eq3A_17 = arith.cmpi eq, %jit3A_16, %eq3A : i32
    %jit3A_18 = arith.constant 1 : i32
    %select_n3A_19 = arith.select %eq3A_17, %jit3A_18, %jit3A_16 : i32
    %rem3A_20 = arith.remsi %arg1, %select_n3A_19 : i32
    %ne3A_21 = arith.constant 0 : i32
    %ne3A_22 = arith.cmpi ne, %rem3A_20, %ne3A_21 : i32
    %lt3A = arith.constant 0 : i32
    %lt3A_23 = arith.cmpi slt, %rem3A_20, %lt3A : i32
    %lt3A_24 = arith.constant 0 : i32
    %lt3A_25 = arith.cmpi slt, %select_n3A_19, %lt3A_24 : i32
    %ne3A_26 = arith.xori %lt3A_23, %lt3A_25 : i1
    %and3A_27 = arith.andi %ne3A_26, %ne3A_22 : i1
    %add3A = arith.addi %rem3A_20, %select_n3A_19 : i32
    %select_n3A_28 = arith.select %and3A_27, %add3A, %rem3A_20 : i32
    %mul3A = arith.constant 512 : i32
    %mul3A_29 = arith.muli %arg0, %mul3A : i32
    %mul3A_30 = arith.constant 128 : i32
    %mul3A_31 = arith.muli %select_n3A, %mul3A_30 : i32
    %add3A_32 = arith.addi %mul3A_29, %mul3A_31 : i32
    "tpu.region"() ({
      %run_scoped3A = tpu.sem_alloc : memref<!tpu.dma_semaphore, #tpu.memory_space<semaphore_mem>>
      tpu.enqueue_dma source(%arg4 : memref<128xf32, #tpu.memory_space<hbm>>) target(%arg8 : memref<128xf32, #tpu.memory_space<vmem>>) target_semaphore(%run_scoped3A : memref<!tpu.dma_semaphore, #tpu.memory_space<semaphore_mem>>)
      tpu.wait_dma2 semaphore(%run_scoped3A : memref<!tpu.dma_semaphore, #tpu.memory_space<semaphore_mem>>) src(%arg4 : memref<128xf32, #tpu.memory_space<hbm>>) dst(%arg8 : memref<128xf32, #tpu.memory_space<vmem>>)
      tpu.yield
    }) : () -> ()
    %eq3A_33 = arith.constant 0 : i32
    %eq3A_34 = arith.cmpi eq, %select_n3A_28, %eq3A_33 : i32
    %convert_element_type3A = arith.extui %eq3A_34 : i1 to i32
    %cond3A = arith.constant 0 : i32
    %cond3A_35 = arith.cmpi ne, %convert_element_type3A, %cond3A : i32
    scf.if %cond3A_35 {
      "tpu.region"() ({
        %run_scoped3A = tpu.sem_alloc : memref<!tpu.dma_semaphore, #tpu.memory_space<semaphore_mem>>
        %dma_start3A = arith.constant 0 : i32
        %dma_start3A_101 = arith.constant 0 : i32
        %dma_start3A_102 = tpu.memref_slice %arg6[%dma_start3A, %dma_start3A_101] : memref<56x128xi32, #tpu.memory_space<vmem>> -> memref<56x128xi32, #tpu.memory_space<vmem>>
        %dma_start3A_103 = arith.constant 0 : i32
        %dma_start3A_104 = tpu.memref_slice %arg2[%dma_start3A_103, %add3A_32] : memref<200x1024xi32, #tpu.memory_space<hbm>> -> memref<56x128xi32, #tpu.memory_space<hbm>>
        %dma_start3A_105 = arith.constant 0 : i32
        %dma_start3A_106 = arith.constant 0 : i32
        %dma_start3A_107 = tpu.memref_slice %arg6[%dma_start3A_105, %dma_start3A_106] : memref<56x128xi32, #tpu.memory_space<vmem>> -> memref<56x128xi32, #tpu.memory_space<vmem>>
        %dma_start3A_108 = arith.constant 0 : i32
        %dma_start3A_109 = tpu.memref_slice %arg2[%dma_start3A_108, %add3A_32] : memref<200x1024xi32, #tpu.memory_space<hbm>> -> memref<56x128xi32, #tpu.memory_space<hbm>>
        tpu.enqueue_dma source(%dma_start3A_109 : memref<56x128xi32, #tpu.memory_space<hbm>>) target(%dma_start3A_107 : memref<56x128xi32, #tpu.memory_space<vmem>>) target_semaphore(%run_scoped3A : memref<!tpu.dma_semaphore, #tpu.memory_space<semaphore_mem>>)
        %dma_wait3A = arith.constant 0 : i32
        %dma_wait3A_110 = arith.constant 0 : i32
        %dma_wait3A_111 = tpu.memref_slice %arg6[%dma_wait3A, %dma_wait3A_110] : memref<56x128xi32, #tpu.memory_space<vmem>> -> memref<56x128xi32, #tpu.memory_space<vmem>>
        %dma_wait3A_112 = arith.constant 0 : i32
        %dma_wait3A_113 = tpu.memref_slice %arg2[%dma_wait3A_112, %add3A_32] : memref<200x1024xi32, #tpu.memory_space<hbm>> -> memref<56x128xi32, #tpu.memory_space<hbm>>
        %dma_wait3A_114 = arith.constant 0 : i32
        %dma_wait3A_115 = arith.constant 0 : i32
        %dma_wait3A_116 = tpu.memref_slice %arg6[%dma_wait3A_114, %dma_wait3A_115] : memref<56x128xi32, #tpu.memory_space<vmem>> -> memref<56x128xi32, #tpu.memory_space<vmem>>
        %dma_wait3A_117 = arith.constant 0 : i32
        %dma_wait3A_118 = tpu.memref_slice %arg2[%dma_wait3A_117, %add3A_32] : memref<200x1024xi32, #tpu.memory_space<hbm>> -> memref<56x128xi32, #tpu.memory_space<hbm>>
        tpu.wait_dma2 semaphore(%run_scoped3A : memref<!tpu.dma_semaphore, #tpu.memory_space<semaphore_mem>>) src(%dma_wait3A_118 : memref<56x128xi32, #tpu.memory_space<hbm>>) dst(%dma_wait3A_116 : memref<56x128xi32, #tpu.memory_space<vmem>>)
        tpu.yield
      }) : () -> ()
      "tpu.region"() ({
        %run_scoped3A = tpu.sem_alloc : memref<!tpu.dma_semaphore, #tpu.memory_space<semaphore_mem>>
        %dma_start3A = arith.constant 0 : i32
        %dma_start3A_101 = arith.constant 0 : i32
        %dma_start3A_102 = tpu.memref_slice %arg7[%dma_start3A, %dma_start3A_101] : memref<56x128xf32, #tpu.memory_space<vmem>> -> memref<56x128xf32, #tpu.memory_space<vmem>>
        %dma_start3A_103 = arith.constant 0 : i32
        %dma_start3A_104 = tpu.memref_slice %arg3[%dma_start3A_103, %add3A_32] : memref<200x1024xf32, #tpu.memory_space<hbm>> -> memref<56x128xf32, #tpu.memory_space<hbm>>
        %dma_start3A_105 = arith.constant 0 : i32
        %dma_start3A_106 = arith.constant 0 : i32
        %dma_start3A_107 = tpu.memref_slice %arg7[%dma_start3A_105, %dma_start3A_106] : memref<56x128xf32, #tpu.memory_space<vmem>> -> memref<56x128xf32, #tpu.memory_space<vmem>>
        %dma_start3A_108 = arith.constant 0 : i32
        %dma_start3A_109 = tpu.memref_slice %arg3[%dma_start3A_108, %add3A_32] : memref<200x1024xf32, #tpu.memory_space<hbm>> -> memref<56x128xf32, #tpu.memory_space<hbm>>
        tpu.enqueue_dma source(%dma_start3A_109 : memref<56x128xf32, #tpu.memory_space<hbm>>) target(%dma_start3A_107 : memref<56x128xf32, #tpu.memory_space<vmem>>) target_semaphore(%run_scoped3A : memref<!tpu.dma_semaphore, #tpu.memory_space<semaphore_mem>>)
        %dma_wait3A = arith.constant 0 : i32
        %dma_wait3A_110 = arith.constant 0 : i32
        %dma_wait3A_111 = tpu.memref_slice %arg7[%dma_wait3A, %dma_wait3A_110] : memref<56x128xf32, #tpu.memory_space<vmem>> -> memref<56x128xf32, #tpu.memory_space<vmem>>
        %dma_wait3A_112 = arith.constant 0 : i32
        %dma_wait3A_113 = tpu.memref_slice %arg3[%dma_wait3A_112, %add3A_32] : memref<200x1024xf32, #tpu.memory_space<hbm>> -> memref<56x128xf32, #tpu.memory_space<hbm>>
        %dma_wait3A_114 = arith.constant 0 : i32
        %dma_wait3A_115 = arith.constant 0 : i32
        %dma_wait3A_116 = tpu.memref_slice %arg7[%dma_wait3A_114, %dma_wait3A_115] : memref<56x128xf32, #tpu.memory_space<vmem>> -> memref<56x128xf32, #tpu.memory_space<vmem>>
        %dma_wait3A_117 = arith.constant 0 : i32
        %dma_wait3A_118 = tpu.memref_slice %arg3[%dma_wait3A_117, %add3A_32] : memref<200x1024xf32, #tpu.memory_space<hbm>> -> memref<56x128xf32, #tpu.memory_space<hbm>>
        tpu.wait_dma2 semaphore(%run_scoped3A : memref<!tpu.dma_semaphore, #tpu.memory_space<semaphore_mem>>) src(%dma_wait3A_118 : memref<56x128xf32, #tpu.memory_space<hbm>>) dst(%dma_wait3A_116 : memref<56x128xf32, #tpu.memory_space<vmem>>)
        tpu.yield
      }) : () -> ()
    } else {
    }
    %eq3A_36 = arith.constant 1 : i32
    %eq3A_37 = arith.cmpi eq, %select_n3A_28, %eq3A_36 : i32
    %convert_element_type3A_38 = arith.extui %eq3A_37 : i1 to i32
    %cond3A_39 = arith.constant 0 : i32
    %cond3A_40 = arith.cmpi ne, %convert_element_type3A_38, %cond3A_39 : i32
    scf.if %cond3A_40 {
      "tpu.region"() ({
        %run_scoped3A = tpu.sem_alloc : memref<!tpu.dma_semaphore, #tpu.memory_space<semaphore_mem>>
        %dma_start3A = arith.constant 0 : i32
        %dma_start3A_101 = arith.constant 0 : i32
        %dma_start3A_102 = tpu.memref_slice %arg6[%dma_start3A, %dma_start3A_101] : memref<56x128xi32, #tpu.memory_space<vmem>> -> memref<48x128xi32, #tpu.memory_space<vmem>>
        %dma_start3A_103 = arith.constant 56 : i32
        %dma_start3A_104 = tpu.memref_slice %arg2[%dma_start3A_103, %add3A_32] : memref<200x1024xi32, #tpu.memory_space<hbm>> -> memref<48x128xi32, #tpu.memory_space<hbm>>
        %dma_start3A_105 = arith.constant 0 : i32
        %dma_start3A_106 = arith.constant 0 : i32
        %dma_start3A_107 = tpu.memref_slice %arg6[%dma_start3A_105, %dma_start3A_106] : memref<56x128xi32, #tpu.memory_space<vmem>> -> memref<48x128xi32, #tpu.memory_space<vmem>>
        %dma_start3A_108 = arith.constant 56 : i32
        %dma_start3A_109 = tpu.memref_slice %arg2[%dma_start3A_108, %add3A_32] : memref<200x1024xi32, #tpu.memory_space<hbm>> -> memref<48x128xi32, #tpu.memory_space<hbm>>
        tpu.enqueue_dma source(%dma_start3A_109 : memref<48x128xi32, #tpu.memory_space<hbm>>) target(%dma_start3A_107 : memref<48x128xi32, #tpu.memory_space<vmem>>) target_semaphore(%run_scoped3A : memref<!tpu.dma_semaphore, #tpu.memory_space<semaphore_mem>>)
        %dma_wait3A = arith.constant 0 : i32
        %dma_wait3A_110 = arith.constant 0 : i32
        %dma_wait3A_111 = tpu.memref_slice %arg6[%dma_wait3A, %dma_wait3A_110] : memref<56x128xi32, #tpu.memory_space<vmem>> -> memref<48x128xi32, #tpu.memory_space<vmem>>
        %dma_wait3A_112 = arith.constant 56 : i32
        %dma_wait3A_113 = tpu.memref_slice %arg2[%dma_wait3A_112, %add3A_32] : memref<200x1024xi32, #tpu.memory_space<hbm>> -> memref<48x128xi32, #tpu.memory_space<hbm>>
        %dma_wait3A_114 = arith.constant 0 : i32
        %dma_wait3A_115 = arith.constant 0 : i32
        %dma_wait3A_116 = tpu.memref_slice %arg6[%dma_wait3A_114, %dma_wait3A_115] : memref<56x128xi32, #tpu.memory_space<vmem>> -> memref<48x128xi32, #tpu.memory_space<vmem>>
        %dma_wait3A_117 = arith.constant 56 : i32
        %dma_wait3A_118 = tpu.memref_slice %arg2[%dma_wait3A_117, %add3A_32] : memref<200x1024xi32, #tpu.memory_space<hbm>> -> memref<48x128xi32, #tpu.memory_space<hbm>>
        tpu.wait_dma2 semaphore(%run_scoped3A : memref<!tpu.dma_semaphore, #tpu.memory_space<semaphore_mem>>) src(%dma_wait3A_118 : memref<48x128xi32, #tpu.memory_space<hbm>>) dst(%dma_wait3A_116 : memref<48x128xi32, #tpu.memory_space<vmem>>)
        tpu.yield
      }) : () -> ()
      "tpu.region"() ({
        %run_scoped3A = tpu.sem_alloc : memref<!tpu.dma_semaphore, #tpu.memory_space<semaphore_mem>>
        %dma_start3A = arith.constant 0 : i32
        %dma_start3A_101 = arith.constant 0 : i32
        %dma_start3A_102 = tpu.memref_slice %arg7[%dma_start3A, %dma_start3A_101] : memref<56x128xf32, #tpu.memory_space<vmem>> -> memref<48x128xf32, #tpu.memory_space<vmem>>
        %dma_start3A_103 = arith.constant 56 : i32
        %dma_start3A_104 = tpu.memref_slice %arg3[%dma_start3A_103, %add3A_32] : memref<200x1024xf32, #tpu.memory_space<hbm>> -> memref<48x128xf32, #tpu.memory_space<hbm>>
        %dma_start3A_105 = arith.constant 0 : i32
        %dma_start3A_106 = arith.constant 0 : i32
        %dma_start3A_107 = tpu.memref_slice %arg7[%dma_start3A_105, %dma_start3A_106] : memref<56x128xf32, #tpu.memory_space<vmem>> -> memref<48x128xf32, #tpu.memory_space<vmem>>
        %dma_start3A_108 = arith.constant 56 : i32
        %dma_start3A_109 = tpu.memref_slice %arg3[%dma_start3A_108, %add3A_32] : memref<200x1024xf32, #tpu.memory_space<hbm>> -> memref<48x128xf32, #tpu.memory_space<hbm>>
        tpu.enqueue_dma source(%dma_start3A_109 : memref<48x128xf32, #tpu.memory_space<hbm>>) target(%dma_start3A_107 : memref<48x128xf32, #tpu.memory_space<vmem>>) target_semaphore(%run_scoped3A : memref<!tpu.dma_semaphore, #tpu.memory_space<semaphore_mem>>)
        %dma_wait3A = arith.constant 0 : i32
        %dma_wait3A_110 = arith.constant 0 : i32
        %dma_wait3A_111 = tpu.memref_slice %arg7[%dma_wait3A, %dma_wait3A_110] : memref<56x128xf32, #tpu.memory_space<vmem>> -> memref<48x128xf32, #tpu.memory_space<vmem>>
        %dma_wait3A_112 = arith.constant 56 : i32
        %dma_wait3A_113 = tpu.memref_slice %arg3[%dma_wait3A_112, %add3A_32] : memref<200x1024xf32, #tpu.memory_space<hbm>> -> memref<48x128xf32, #tpu.memory_space<hbm>>
        %dma_wait3A_114 = arith.constant 0 : i32
        %dma_wait3A_115 = arith.constant 0 : i32
        %dma_wait3A_116 = tpu.memref_slice %arg7[%dma_wait3A_114, %dma_wait3A_115] : memref<56x128xf32, #tpu.memory_space<vmem>> -> memref<48x128xf32, #tpu.memory_space<vmem>>
        %dma_wait3A_117 = arith.constant 56 : i32
        %dma_wait3A_118 = tpu.memref_slice %arg3[%dma_wait3A_117, %add3A_32] : memref<200x1024xf32, #tpu.memory_space<hbm>> -> memref<48x128xf32, #tpu.memory_space<hbm>>
        tpu.wait_dma2 semaphore(%run_scoped3A : memref<!tpu.dma_semaphore, #tpu.memory_space<semaphore_mem>>) src(%dma_wait3A_118 : memref<48x128xf32, #tpu.memory_space<hbm>>) dst(%dma_wait3A_116 : memref<48x128xf32, #tpu.memory_space<vmem>>)
        tpu.yield
      }) : () -> ()
    } else {
    }
    %eq3A_41 = arith.constant 2 : i32
    %eq3A_42 = arith.cmpi eq, %select_n3A_28, %eq3A_41 : i32
    %convert_element_type3A_43 = arith.extui %eq3A_42 : i1 to i32
    %cond3A_44 = arith.constant 0 : i32
    %cond3A_45 = arith.cmpi ne, %convert_element_type3A_43, %cond3A_44 : i32
    scf.if %cond3A_45 {
      "tpu.region"() ({
        %run_scoped3A = tpu.sem_alloc : memref<!tpu.dma_semaphore, #tpu.memory_space<semaphore_mem>>
        %dma_start3A = arith.constant 0 : i32
        %dma_start3A_101 = arith.constant 0 : i32
        %dma_start3A_102 = tpu.memref_slice %arg6[%dma_start3A, %dma_start3A_101] : memref<56x128xi32, #tpu.memory_space<vmem>> -> memref<48x128xi32, #tpu.memory_space<vmem>>
        %dma_start3A_103 = arith.constant 104 : i32
        %dma_start3A_104 = tpu.memref_slice %arg2[%dma_start3A_103, %add3A_32] : memref<200x1024xi32, #tpu.memory_space<hbm>> -> memref<48x128xi32, #tpu.memory_space<hbm>>
        %dma_start3A_105 = arith.constant 0 : i32
        %dma_start3A_106 = arith.constant 0 : i32
        %dma_start3A_107 = tpu.memref_slice %arg6[%dma_start3A_105, %dma_start3A_106] : memref<56x128xi32, #tpu.memory_space<vmem>> -> memref<48x128xi32, #tpu.memory_space<vmem>>
        %dma_start3A_108 = arith.constant 104 : i32
        %dma_start3A_109 = tpu.memref_slice %arg2[%dma_start3A_108, %add3A_32] : memref<200x1024xi32, #tpu.memory_space<hbm>> -> memref<48x128xi32, #tpu.memory_space<hbm>>
        tpu.enqueue_dma source(%dma_start3A_109 : memref<48x128xi32, #tpu.memory_space<hbm>>) target(%dma_start3A_107 : memref<48x128xi32, #tpu.memory_space<vmem>>) target_semaphore(%run_scoped3A : memref<!tpu.dma_semaphore, #tpu.memory_space<semaphore_mem>>)
        %dma_wait3A = arith.constant 0 : i32
        %dma_wait3A_110 = arith.constant 0 : i32
        %dma_wait3A_111 = tpu.memref_slice %arg6[%dma_wait3A, %dma_wait3A_110] : memref<56x128xi32, #tpu.memory_space<vmem>> -> memref<48x128xi32, #tpu.memory_space<vmem>>
        %dma_wait3A_112 = arith.constant 104 : i32
        %dma_wait3A_113 = tpu.memref_slice %arg2[%dma_wait3A_112, %add3A_32] : memref<200x1024xi32, #tpu.memory_space<hbm>> -> memref<48x128xi32, #tpu.memory_space<hbm>>
        %dma_wait3A_114 = arith.constant 0 : i32
        %dma_wait3A_115 = arith.constant 0 : i32
        %dma_wait3A_116 = tpu.memref_slice %arg6[%dma_wait3A_114, %dma_wait3A_115] : memref<56x128xi32, #tpu.memory_space<vmem>> -> memref<48x128xi32, #tpu.memory_space<vmem>>
        %dma_wait3A_117 = arith.constant 104 : i32
        %dma_wait3A_118 = tpu.memref_slice %arg2[%dma_wait3A_117, %add3A_32] : memref<200x1024xi32, #tpu.memory_space<hbm>> -> memref<48x128xi32, #tpu.memory_space<hbm>>
        tpu.wait_dma2 semaphore(%run_scoped3A : memref<!tpu.dma_semaphore, #tpu.memory_space<semaphore_mem>>) src(%dma_wait3A_118 : memref<48x128xi32, #tpu.memory_space<hbm>>) dst(%dma_wait3A_116 : memref<48x128xi32, #tpu.memory_space<vmem>>)
        tpu.yield
      }) : () -> ()
      "tpu.region"() ({
        %run_scoped3A = tpu.sem_alloc : memref<!tpu.dma_semaphore, #tpu.memory_space<semaphore_mem>>
        %dma_start3A = arith.constant 0 : i32
        %dma_start3A_101 = arith.constant 0 : i32
        %dma_start3A_102 = tpu.memref_slice %arg7[%dma_start3A, %dma_start3A_101] : memref<56x128xf32, #tpu.memory_space<vmem>> -> memref<48x128xf32, #tpu.memory_space<vmem>>
        %dma_start3A_103 = arith.constant 104 : i32
        %dma_start3A_104 = tpu.memref_slice %arg3[%dma_start3A_103, %add3A_32] : memref<200x1024xf32, #tpu.memory_space<hbm>> -> memref<48x128xf32, #tpu.memory_space<hbm>>
        %dma_start3A_105 = arith.constant 0 : i32
        %dma_start3A_106 = arith.constant 0 : i32
        %dma_start3A_107 = tpu.memref_slice %arg7[%dma_start3A_105, %dma_start3A_106] : memref<56x128xf32, #tpu.memory_space<vmem>> -> memref<48x128xf32, #tpu.memory_space<vmem>>
        %dma_start3A_108 = arith.constant 104 : i32
        %dma_start3A_109 = tpu.memref_slice %arg3[%dma_start3A_108, %add3A_32] : memref<200x1024xf32, #tpu.memory_space<hbm>> -> memref<48x128xf32, #tpu.memory_space<hbm>>
        tpu.enqueue_dma source(%dma_start3A_109 : memref<48x128xf32, #tpu.memory_space<hbm>>) target(%dma_start3A_107 : memref<48x128xf32, #tpu.memory_space<vmem>>) target_semaphore(%run_scoped3A : memref<!tpu.dma_semaphore, #tpu.memory_space<semaphore_mem>>)
        %dma_wait3A = arith.constant 0 : i32
        %dma_wait3A_110 = arith.constant 0 : i32
        %dma_wait3A_111 = tpu.memref_slice %arg7[%dma_wait3A, %dma_wait3A_110] : memref<56x128xf32, #tpu.memory_space<vmem>> -> memref<48x128xf32, #tpu.memory_space<vmem>>
        %dma_wait3A_112 = arith.constant 104 : i32
        %dma_wait3A_113 = tpu.memref_slice %arg3[%dma_wait3A_112, %add3A_32] : memref<200x1024xf32, #tpu.memory_space<hbm>> -> memref<48x128xf32, #tpu.memory_space<hbm>>
        %dma_wait3A_114 = arith.constant 0 : i32
        %dma_wait3A_115 = arith.constant 0 : i32
        %dma_wait3A_116 = tpu.memref_slice %arg7[%dma_wait3A_114, %dma_wait3A_115] : memref<56x128xf32, #tpu.memory_space<vmem>> -> memref<48x128xf32, #tpu.memory_space<vmem>>
        %dma_wait3A_117 = arith.constant 104 : i32
        %dma_wait3A_118 = tpu.memref_slice %arg3[%dma_wait3A_117, %add3A_32] : memref<200x1024xf32, #tpu.memory_space<hbm>> -> memref<48x128xf32, #tpu.memory_space<hbm>>
        tpu.wait_dma2 semaphore(%run_scoped3A : memref<!tpu.dma_semaphore, #tpu.memory_space<semaphore_mem>>) src(%dma_wait3A_118 : memref<48x128xf32, #tpu.memory_space<hbm>>) dst(%dma_wait3A_116 : memref<48x128xf32, #tpu.memory_space<vmem>>)
        tpu.yield
      }) : () -> ()
    } else {
    }
    %eq3A_46 = arith.constant 3 : i32
    %eq3A_47 = arith.cmpi eq, %select_n3A_28, %eq3A_46 : i32
    %convert_element_type3A_48 = arith.extui %eq3A_47 : i1 to i32
    %cond3A_49 = arith.constant 0 : i32
    %cond3A_50 = arith.cmpi ne, %convert_element_type3A_48, %cond3A_49 : i32
    scf.if %cond3A_50 {
      "tpu.region"() ({
        %run_scoped3A = tpu.sem_alloc : memref<!tpu.dma_semaphore, #tpu.memory_space<semaphore_mem>>
        %dma_start3A = arith.constant 0 : i32
        %dma_start3A_101 = arith.constant 0 : i32
        %dma_start3A_102 = tpu.memref_slice %arg6[%dma_start3A, %dma_start3A_101] : memref<56x128xi32, #tpu.memory_space<vmem>> -> memref<48x128xi32, #tpu.memory_space<vmem>>
        %dma_start3A_103 = arith.constant 152 : i32
        %dma_start3A_104 = tpu.memref_slice %arg2[%dma_start3A_103, %add3A_32] : memref<200x1024xi32, #tpu.memory_space<hbm>> -> memref<48x128xi32, #tpu.memory_space<hbm>>
        %dma_start3A_105 = arith.constant 0 : i32
        %dma_start3A_106 = arith.constant 0 : i32
        %dma_start3A_107 = tpu.memref_slice %arg6[%dma_start3A_105, %dma_start3A_106] : memref<56x128xi32, #tpu.memory_space<vmem>> -> memref<48x128xi32, #tpu.memory_space<vmem>>
        %dma_start3A_108 = arith.constant 152 : i32
        %dma_start3A_109 = tpu.memref_slice %arg2[%dma_start3A_108, %add3A_32] : memref<200x1024xi32, #tpu.memory_space<hbm>> -> memref<48x128xi32, #tpu.memory_space<hbm>>
        tpu.enqueue_dma source(%dma_start3A_109 : memref<48x128xi32, #tpu.memory_space<hbm>>) target(%dma_start3A_107 : memref<48x128xi32, #tpu.memory_space<vmem>>) target_semaphore(%run_scoped3A : memref<!tpu.dma_semaphore, #tpu.memory_space<semaphore_mem>>)
        %dma_wait3A = arith.constant 0 : i32
        %dma_wait3A_110 = arith.constant 0 : i32
        %dma_wait3A_111 = tpu.memref_slice %arg6[%dma_wait3A, %dma_wait3A_110] : memref<56x128xi32, #tpu.memory_space<vmem>> -> memref<48x128xi32, #tpu.memory_space<vmem>>
        %dma_wait3A_112 = arith.constant 152 : i32
        %dma_wait3A_113 = tpu.memref_slice %arg2[%dma_wait3A_112, %add3A_32] : memref<200x1024xi32, #tpu.memory_space<hbm>> -> memref<48x128xi32, #tpu.memory_space<hbm>>
        %dma_wait3A_114 = arith.constant 0 : i32
        %dma_wait3A_115 = arith.constant 0 : i32
        %dma_wait3A_116 = tpu.memref_slice %arg6[%dma_wait3A_114, %dma_wait3A_115] : memref<56x128xi32, #tpu.memory_space<vmem>> -> memref<48x128xi32, #tpu.memory_space<vmem>>
        %dma_wait3A_117 = arith.constant 152 : i32
        %dma_wait3A_118 = tpu.memref_slice %arg2[%dma_wait3A_117, %add3A_32] : memref<200x1024xi32, #tpu.memory_space<hbm>> -> memref<48x128xi32, #tpu.memory_space<hbm>>
        tpu.wait_dma2 semaphore(%run_scoped3A : memref<!tpu.dma_semaphore, #tpu.memory_space<semaphore_mem>>) src(%dma_wait3A_118 : memref<48x128xi32, #tpu.memory_space<hbm>>) dst(%dma_wait3A_116 : memref<48x128xi32, #tpu.memory_space<vmem>>)
        tpu.yield
      }) : () -> ()
      "tpu.region"() ({
        %run_scoped3A = tpu.sem_alloc : memref<!tpu.dma_semaphore, #tpu.memory_space<semaphore_mem>>
        %dma_start3A = arith.constant 0 : i32
        %dma_start3A_101 = arith.constant 0 : i32
        %dma_start3A_102 = tpu.memref_slice %arg7[%dma_start3A, %dma_start3A_101] : memref<56x128xf32, #tpu.memory_space<vmem>> -> memref<48x128xf32, #tpu.memory_space<vmem>>
        %dma_start3A_103 = arith.constant 152 : i32
        %dma_start3A_104 = tpu.memref_slice %arg3[%dma_start3A_103, %add3A_32] : memref<200x1024xf32, #tpu.memory_space<hbm>> -> memref<48x128xf32, #tpu.memory_space<hbm>>
        %dma_start3A_105 = arith.constant 0 : i32
        %dma_start3A_106 = arith.constant 0 : i32
        %dma_start3A_107 = tpu.memref_slice %arg7[%dma_start3A_105, %dma_start3A_106] : memref<56x128xf32, #tpu.memory_space<vmem>> -> memref<48x128xf32, #tpu.memory_space<vmem>>
        %dma_start3A_108 = arith.constant 152 : i32
        %dma_start3A_109 = tpu.memref_slice %arg3[%dma_start3A_108, %add3A_32] : memref<200x1024xf32, #tpu.memory_space<hbm>> -> memref<48x128xf32, #tpu.memory_space<hbm>>
        tpu.enqueue_dma source(%dma_start3A_109 : memref<48x128xf32, #tpu.memory_space<hbm>>) target(%dma_start3A_107 : memref<48x128xf32, #tpu.memory_space<vmem>>) target_semaphore(%run_scoped3A : memref<!tpu.dma_semaphore, #tpu.memory_space<semaphore_mem>>)
        %dma_wait3A = arith.constant 0 : i32
        %dma_wait3A_110 = arith.constant 0 : i32
        %dma_wait3A_111 = tpu.memref_slice %arg7[%dma_wait3A, %dma_wait3A_110] : memref<56x128xf32, #tpu.memory_space<vmem>> -> memref<48x128xf32, #tpu.memory_space<vmem>>
        %dma_wait3A_112 = arith.constant 152 : i32
        %dma_wait3A_113 = tpu.memref_slice %arg3[%dma_wait3A_112, %add3A_32] : memref<200x1024xf32, #tpu.memory_space<hbm>> -> memref<48x128xf32, #tpu.memory_space<hbm>>
        %dma_wait3A_114 = arith.constant 0 : i32
        %dma_wait3A_115 = arith.constant 0 : i32
        %dma_wait3A_116 = tpu.memref_slice %arg7[%dma_wait3A_114, %dma_wait3A_115] : memref<56x128xf32, #tpu.memory_space<vmem>> -> memref<48x128xf32, #tpu.memory_space<vmem>>
        %dma_wait3A_117 = arith.constant 152 : i32
        %dma_wait3A_118 = tpu.memref_slice %arg3[%dma_wait3A_117, %add3A_32] : memref<200x1024xf32, #tpu.memory_space<hbm>> -> memref<48x128xf32, #tpu.memory_space<hbm>>
        tpu.wait_dma2 semaphore(%run_scoped3A : memref<!tpu.dma_semaphore, #tpu.memory_space<semaphore_mem>>) src(%dma_wait3A_118 : memref<48x128xf32, #tpu.memory_space<hbm>>) dst(%dma_wait3A_116 : memref<48x128xf32, #tpu.memory_space<vmem>>)
        tpu.yield
      }) : () -> ()
    } else {
    }
    %eq3A_51 = arith.constant 0 : i32
    %eq3A_52 = arith.cmpi eq, %select_n3A_28, %eq3A_51 : i32
    %jit3A_53 = arith.constant 56 : i32
    %jit3A_54 = arith.constant 48 : i32
    %select_n3A_55 = arith.select %eq3A_52, %jit3A_53, %jit3A_54 : i32
    %broadcast_in_dim3A = arith.constant 0.000000e+00 : f32
    %broadcast_in_dim3A_56 = vector.broadcast %broadcast_in_dim3A : f32 to vector<16xf32>
    %broadcast_in_dim3A_57 = arith.constant 0.000000e+00 : f32
    %broadcast_in_dim3A_58 = vector.broadcast %broadcast_in_dim3A_57 : f32 to vector<16xf32>
    %broadcast_in_dim3A_59 = arith.constant 0.000000e+00 : f32
    %broadcast_in_dim3A_60 = vector.broadcast %broadcast_in_dim3A_59 : f32 to vector<16xf32>
    %broadcast_in_dim3A_61 = arith.constant 0.000000e+00 : f32
    %broadcast_in_dim3A_62 = vector.broadcast %broadcast_in_dim3A_61 : f32 to vector<16xf32>
    %broadcast_in_dim3A_63 = arith.constant 0.000000e+00 : f32
    %broadcast_in_dim3A_64 = vector.broadcast %broadcast_in_dim3A_63 : f32 to vector<16xf32>
    %broadcast_in_dim3A_65 = arith.constant 0.000000e+00 : f32
    %broadcast_in_dim3A_66 = vector.broadcast %broadcast_in_dim3A_65 : f32 to vector<16xf32>
    %broadcast_in_dim3A_67 = arith.constant 0.000000e+00 : f32
    %broadcast_in_dim3A_68 = vector.broadcast %broadcast_in_dim3A_67 : f32 to vector<16xf32>
    %broadcast_in_dim3A_69 = arith.constant 0.000000e+00 : f32
    %broadcast_in_dim3A_70 = vector.broadcast %broadcast_in_dim3A_69 : f32 to vector<16xf32>
    %while3A = arith.constant 0 : i32
    %while3A_71 = arith.subi %select_n3A_55, %while3A : i32
    %while3A_72 = arith.addi %while3A, %while3A_71 : i32
    %while3A_73 = arith.constant 1 : i32
    %while3A_74 = arith.divsi %while3A_71, %while3A_73 : i32
    %while3A_75 = arith.muli %while3A_74, %while3A_73 : i32
    %while3A_76 = arith.addi %while3A, %while3A_75 : i32
    %while3A_77 = arith.constant 1 : i32
    %while3A_78:8 = scf.for %while3A_101 = %while3A to %while3A_76 step %while3A_77 iter_args(%while3A_102 = %broadcast_in_dim3A_56, %while3A_103 = %broadcast_in_dim3A_58, %while3A_104 = %broadcast_in_dim3A_60, %while3A_105 = %broadcast_in_dim3A_62, %while3A_106 = %broadcast_in_dim3A_64, %while3A_107 = %broadcast_in_dim3A_66, %while3A_108 = %broadcast_in_dim3A_68, %while3A_109 = %broadcast_in_dim3A_70) -> (vector<16xf32>, vector<16xf32>, vector<16xf32>, vector<16xf32>, vector<16xf32>, vector<16xf32>, vector<16xf32>, vector<16xf32>)  : i32 {
      %get3A = arith.index_cast %while3A_101 : i32 to index
      %get3A_110 = arith.constant 0 : index
      %get3A_111 = tpu.vector_load %arg6[%get3A, %get3A_110] {strides = array<i32>} : memref<56x128xi32, #tpu.memory_space<vmem>>, vector<16xi32>,
      %gather3A = tpu.vector_load_idx %arg8[%get3A_111] : memref<128xf32, #tpu.memory_space<vmem>>[vector<16xi32>], vector<16xf32>,
      %get3A_112 = arith.index_cast %while3A_101 : i32 to index
      %get3A_113 = arith.constant 0 : index
      %get3A_114 = tpu.vector_load %arg7[%get3A_112, %get3A_113] {strides = array<i32>} : memref<56x128xf32, #tpu.memory_space<vmem>>, vector<16xf32>,
      %mul3A_115 = arith.mulf %gather3A, %get3A_114 : vector<16xf32>
      %add3A_116 = arith.addf %while3A_102, %mul3A_115 : vector<16xf32>
      %get3A_117 = arith.index_cast %while3A_101 : i32 to index
      %get3A_118 = arith.constant 16 : index
      %get3A_119 = tpu.vector_load %arg6[%get3A_117, %get3A_118] {strides = array<i32>} : memref<56x128xi32, #tpu.memory_space<vmem>>, vector<16xi32>,
      %gather3A_120 = tpu.vector_load_idx %arg8[%get3A_119] : memref<128xf32, #tpu.memory_space<vmem>>[vector<16xi32>], vector<16xf32>,
      %get3A_121 = arith.index_cast %while3A_101 : i32 to index
      %get3A_122 = arith.constant 16 : index
      %get3A_123 = tpu.vector_load %arg7[%get3A_121, %get3A_122] {strides = array<i32>} : memref<56x128xf32, #tpu.memory_space<vmem>>, vector<16xf32>,
      %mul3A_124 = arith.mulf %gather3A_120, %get3A_123 : vector<16xf32>
      %add3A_125 = arith.addf %while3A_103, %mul3A_124 : vector<16xf32>
      %get3A_126 = arith.index_cast %while3A_101 : i32 to index
      %get3A_127 = arith.constant 32 : index
      %get3A_128 = tpu.vector_load %arg6[%get3A_126, %get3A_127] {strides = array<i32>} : memref<56x128xi32, #tpu.memory_space<vmem>>, vector<16xi32>,
      %gather3A_129 = tpu.vector_load_idx %arg8[%get3A_128] : memref<128xf32, #tpu.memory_space<vmem>>[vector<16xi32>], vector<16xf32>,
      %get3A_130 = arith.index_cast %while3A_101 : i32 to index
      %get3A_131 = arith.constant 32 : index
      %get3A_132 = tpu.vector_load %arg7[%get3A_130, %get3A_131] {strides = array<i32>} : memref<56x128xf32, #tpu.memory_space<vmem>>, vector<16xf32>,
      %mul3A_133 = arith.mulf %gather3A_129, %get3A_132 : vector<16xf32>
      %add3A_134 = arith.addf %while3A_104, %mul3A_133 : vector<16xf32>
      %get3A_135 = arith.index_cast %while3A_101 : i32 to index
      %get3A_136 = arith.constant 48 : index
      %get3A_137 = tpu.vector_load %arg6[%get3A_135, %get3A_136] {strides = array<i32>} : memref<56x128xi32, #tpu.memory_space<vmem>>, vector<16xi32>,
      %gather3A_138 = tpu.vector_load_idx %arg8[%get3A_137] : memref<128xf32, #tpu.memory_space<vmem>>[vector<16xi32>], vector<16xf32>,
      %get3A_139 = arith.index_cast %while3A_101 : i32 to index
      %get3A_140 = arith.constant 48 : index
      %get3A_141 = tpu.vector_load %arg7[%get3A_139, %get3A_140] {strides = array<i32>} : memref<56x128xf32, #tpu.memory_space<vmem>>, vector<16xf32>,
      %mul3A_142 = arith.mulf %gather3A_138, %get3A_141 : vector<16xf32>
      %add3A_143 = arith.addf %while3A_105, %mul3A_142 : vector<16xf32>
      %get3A_144 = arith.index_cast %while3A_101 : i32 to index
      %get3A_145 = arith.constant 64 : index
      %get3A_146 = tpu.vector_load %arg6[%get3A_144, %get3A_145] {strides = array<i32>} : memref<56x128xi32, #tpu.memory_space<vmem>>, vector<16xi32>,
      %gather3A_147 = tpu.vector_load_idx %arg8[%get3A_146] : memref<128xf32, #tpu.memory_space<vmem>>[vector<16xi32>], vector<16xf32>,
      %get3A_148 = arith.index_cast %while3A_101 : i32 to index
      %get3A_149 = arith.constant 64 : index
      %get3A_150 = tpu.vector_load %arg7[%get3A_148, %get3A_149] {strides = array<i32>} : memref<56x128xf32, #tpu.memory_space<vmem>>, vector<16xf32>,
      %mul3A_151 = arith.mulf %gather3A_147, %get3A_150 : vector<16xf32>
      %add3A_152 = arith.addf %while3A_106, %mul3A_151 : vector<16xf32>
      %get3A_153 = arith.index_cast %while3A_101 : i32 to index
      %get3A_154 = arith.constant 80 : index
      %get3A_155 = tpu.vector_load %arg6[%get3A_153, %get3A_154] {strides = array<i32>} : memref<56x128xi32, #tpu.memory_space<vmem>>, vector<16xi32>,
      %gather3A_156 = tpu.vector_load_idx %arg8[%get3A_155] : memref<128xf32, #tpu.memory_space<vmem>>[vector<16xi32>], vector<16xf32>,
      %get3A_157 = arith.index_cast %while3A_101 : i32 to index
      %get3A_158 = arith.constant 80 : index
      %get3A_159 = tpu.vector_load %arg7[%get3A_157, %get3A_158] {strides = array<i32>} : memref<56x128xf32, #tpu.memory_space<vmem>>, vector<16xf32>,
      %mul3A_160 = arith.mulf %gather3A_156, %get3A_159 : vector<16xf32>
      %add3A_161 = arith.addf %while3A_107, %mul3A_160 : vector<16xf32>
      %get3A_162 = arith.index_cast %while3A_101 : i32 to index
      %get3A_163 = arith.constant 96 : index
      %get3A_164 = tpu.vector_load %arg6[%get3A_162, %get3A_163] {strides = array<i32>} : memref<56x128xi32, #tpu.memory_space<vmem>>, vector<16xi32>,
      %gather3A_165 = tpu.vector_load_idx %arg8[%get3A_164] : memref<128xf32, #tpu.memory_space<vmem>>[vector<16xi32>], vector<16xf32>,
      %get3A_166 = arith.index_cast %while3A_101 : i32 to index
      %get3A_167 = arith.constant 96 : index
      %get3A_168 = tpu.vector_load %arg7[%get3A_166, %get3A_167] {strides = array<i32>} : memref<56x128xf32, #tpu.memory_space<vmem>>, vector<16xf32>,
      %mul3A_169 = arith.mulf %gather3A_165, %get3A_168 : vector<16xf32>
      %add3A_170 = arith.addf %while3A_108, %mul3A_169 : vector<16xf32>
      %get3A_171 = arith.index_cast %while3A_101 : i32 to index
      %get3A_172 = arith.constant 112 : index
      %get3A_173 = tpu.vector_load %arg6[%get3A_171, %get3A_172] {strides = array<i32>} : memref<56x128xi32, #tpu.memory_space<vmem>>, vector<16xi32>,
      %gather3A_174 = tpu.vector_load_idx %arg8[%get3A_173] : memref<128xf32, #tpu.memory_space<vmem>>[vector<16xi32>], vector<16xf32>,
      %get3A_175 = arith.index_cast %while3A_101 : i32 to index
      %get3A_176 = arith.constant 112 : index
      %get3A_177 = tpu.vector_load %arg7[%get3A_175, %get3A_176] {strides = array<i32>} : memref<56x128xf32, #tpu.memory_space<vmem>>, vector<16xf32>,
      %mul3A_178 = arith.mulf %gather3A_174, %get3A_177 : vector<16xf32>
      %add3A_179 = arith.addf %while3A_109, %mul3A_178 : vector<16xf32>
      scf.yield %add3A_116, %add3A_125, %add3A_134, %add3A_143, %add3A_152, %add3A_161, %add3A_170, %add3A_179 : vector<16xf32>, vector<16xf32>, vector<16xf32>, vector<16xf32>, vector<16xf32>, vector<16xf32>, vector<16xf32>, vector<16xf32>
    }
    %while3A_79 = arith.constant 1 : i32
    %while3A_80:8 = scf.for %while3A_101 = %while3A_76 to %while3A_72 step %while3A_79 iter_args(%while3A_102 = %while3A_78#0, %while3A_103 = %while3A_78#1, %while3A_104 = %while3A_78#2, %while3A_105 = %while3A_78#3, %while3A_106 = %while3A_78#4, %while3A_107 = %while3A_78#5, %while3A_108 = %while3A_78#6, %while3A_109 = %while3A_78#7) -> (vector<16xf32>, vector<16xf32>, vector<16xf32>, vector<16xf32>, vector<16xf32>, vector<16xf32>, vector<16xf32>, vector<16xf32>)  : i32 {
      %get3A = arith.index_cast %while3A_101 : i32 to index
      %get3A_110 = arith.constant 0 : index
      %get3A_111 = tpu.vector_load %arg6[%get3A, %get3A_110] {strides = array<i32>} : memref<56x128xi32, #tpu.memory_space<vmem>>, vector<16xi32>,
      %gather3A = tpu.vector_load_idx %arg8[%get3A_111] : memref<128xf32, #tpu.memory_space<vmem>>[vector<16xi32>], vector<16xf32>,
      %get3A_112 = arith.index_cast %while3A_101 : i32 to index
      %get3A_113 = arith.constant 0 : index
      %get3A_114 = tpu.vector_load %arg7[%get3A_112, %get3A_113] {strides = array<i32>} : memref<56x128xf32, #tpu.memory_space<vmem>>, vector<16xf32>,
      %mul3A_115 = arith.mulf %gather3A, %get3A_114 : vector<16xf32>
      %add3A_116 = arith.addf %while3A_102, %mul3A_115 : vector<16xf32>
      %get3A_117 = arith.index_cast %while3A_101 : i32 to index
      %get3A_118 = arith.constant 16 : index
      %get3A_119 = tpu.vector_load %arg6[%get3A_117, %get3A_118] {strides = array<i32>} : memref<56x128xi32, #tpu.memory_space<vmem>>, vector<16xi32>,
      %gather3A_120 = tpu.vector_load_idx %arg8[%get3A_119] : memref<128xf32, #tpu.memory_space<vmem>>[vector<16xi32>], vector<16xf32>,
      %get3A_121 = arith.index_cast %while3A_101 : i32 to index
      %get3A_122 = arith.constant 16 : index
      %get3A_123 = tpu.vector_load %arg7[%get3A_121, %get3A_122] {strides = array<i32>} : memref<56x128xf32, #tpu.memory_space<vmem>>, vector<16xf32>,
      %mul3A_124 = arith.mulf %gather3A_120, %get3A_123 : vector<16xf32>
      %add3A_125 = arith.addf %while3A_103, %mul3A_124 : vector<16xf32>
      %get3A_126 = arith.index_cast %while3A_101 : i32 to index
      %get3A_127 = arith.constant 32 : index
      %get3A_128 = tpu.vector_load %arg6[%get3A_126, %get3A_127] {strides = array<i32>} : memref<56x128xi32, #tpu.memory_space<vmem>>, vector<16xi32>,
      %gather3A_129 = tpu.vector_load_idx %arg8[%get3A_128] : memref<128xf32, #tpu.memory_space<vmem>>[vector<16xi32>], vector<16xf32>,
      %get3A_130 = arith.index_cast %while3A_101 : i32 to index
      %get3A_131 = arith.constant 32 : index
      %get3A_132 = tpu.vector_load %arg7[%get3A_130, %get3A_131] {strides = array<i32>} : memref<56x128xf32, #tpu.memory_space<vmem>>, vector<16xf32>,
      %mul3A_133 = arith.mulf %gather3A_129, %get3A_132 : vector<16xf32>
      %add3A_134 = arith.addf %while3A_104, %mul3A_133 : vector<16xf32>
      %get3A_135 = arith.index_cast %while3A_101 : i32 to index
      %get3A_136 = arith.constant 48 : index
      %get3A_137 = tpu.vector_load %arg6[%get3A_135, %get3A_136] {strides = array<i32>} : memref<56x128xi32, #tpu.memory_space<vmem>>, vector<16xi32>,
      %gather3A_138 = tpu.vector_load_idx %arg8[%get3A_137] : memref<128xf32, #tpu.memory_space<vmem>>[vector<16xi32>], vector<16xf32>,
      %get3A_139 = arith.index_cast %while3A_101 : i32 to index
      %get3A_140 = arith.constant 48 : index
      %get3A_141 = tpu.vector_load %arg7[%get3A_139, %get3A_140] {strides = array<i32>} : memref<56x128xf32, #tpu.memory_space<vmem>>, vector<16xf32>,
      %mul3A_142 = arith.mulf %gather3A_138, %get3A_141 : vector<16xf32>
      %add3A_143 = arith.addf %while3A_105, %mul3A_142 : vector<16xf32>
      %get3A_144 = arith.index_cast %while3A_101 : i32 to index
      %get3A_145 = arith.constant 64 : index
      %get3A_146 = tpu.vector_load %arg6[%get3A_144, %get3A_145] {strides = array<i32>} : memref<56x128xi32, #tpu.memory_space<vmem>>, vector<16xi32>,
      %gather3A_147 = tpu.vector_load_idx %arg8[%get3A_146] : memref<128xf32, #tpu.memory_space<vmem>>[vector<16xi32>], vector<16xf32>,
      %get3A_148 = arith.index_cast %while3A_101 : i32 to index
      %get3A_149 = arith.constant 64 : index
      %get3A_150 = tpu.vector_load %arg7[%get3A_148, %get3A_149] {strides = array<i32>} : memref<56x128xf32, #tpu.memory_space<vmem>>, vector<16xf32>,
      %mul3A_151 = arith.mulf %gather3A_147, %get3A_150 : vector<16xf32>
      %add3A_152 = arith.addf %while3A_106, %mul3A_151 : vector<16xf32>
      %get3A_153 = arith.index_cast %while3A_101 : i32 to index
      %get3A_154 = arith.constant 80 : index
      %get3A_155 = tpu.vector_load %arg6[%get3A_153, %get3A_154] {strides = array<i32>} : memref<56x128xi32, #tpu.memory_space<vmem>>, vector<16xi32>,
      %gather3A_156 = tpu.vector_load_idx %arg8[%get3A_155] : memref<128xf32, #tpu.memory_space<vmem>>[vector<16xi32>], vector<16xf32>,
      %get3A_157 = arith.index_cast %while3A_101 : i32 to index
      %get3A_158 = arith.constant 80 : index
      %get3A_159 = tpu.vector_load %arg7[%get3A_157, %get3A_158] {strides = array<i32>} : memref<56x128xf32, #tpu.memory_space<vmem>>, vector<16xf32>,
      %mul3A_160 = arith.mulf %gather3A_156, %get3A_159 : vector<16xf32>
      %add3A_161 = arith.addf %while3A_107, %mul3A_160 : vector<16xf32>
      %get3A_162 = arith.index_cast %while3A_101 : i32 to index
      %get3A_163 = arith.constant 96 : index
      %get3A_164 = tpu.vector_load %arg6[%get3A_162, %get3A_163] {strides = array<i32>} : memref<56x128xi32, #tpu.memory_space<vmem>>, vector<16xi32>,
      %gather3A_165 = tpu.vector_load_idx %arg8[%get3A_164] : memref<128xf32, #tpu.memory_space<vmem>>[vector<16xi32>], vector<16xf32>,
      %get3A_166 = arith.index_cast %while3A_101 : i32 to index
      %get3A_167 = arith.constant 96 : index
      %get3A_168 = tpu.vector_load %arg7[%get3A_166, %get3A_167] {strides = array<i32>} : memref<56x128xf32, #tpu.memory_space<vmem>>, vector<16xf32>,
      %mul3A_169 = arith.mulf %gather3A_165, %get3A_168 : vector<16xf32>
      %add3A_170 = arith.addf %while3A_108, %mul3A_169 : vector<16xf32>
      %get3A_171 = arith.index_cast %while3A_101 : i32 to index
      %get3A_172 = arith.constant 112 : index
      %get3A_173 = tpu.vector_load %arg6[%get3A_171, %get3A_172] {strides = array<i32>} : memref<56x128xi32, #tpu.memory_space<vmem>>, vector<16xi32>,
      %gather3A_174 = tpu.vector_load_idx %arg8[%get3A_173] : memref<128xf32, #tpu.memory_space<vmem>>[vector<16xi32>], vector<16xf32>,
      %get3A_175 = arith.index_cast %while3A_101 : i32 to index
      %get3A_176 = arith.constant 112 : index
      %get3A_177 = tpu.vector_load %arg7[%get3A_175, %get3A_176] {strides = array<i32>} : memref<56x128xf32, #tpu.memory_space<vmem>>, vector<16xf32>,
      %mul3A_178 = arith.mulf %gather3A_174, %get3A_177 : vector<16xf32>
      %add3A_179 = arith.addf %while3A_109, %mul3A_178 : vector<16xf32>
      scf.yield %add3A_116, %add3A_125, %add3A_134, %add3A_143, %add3A_152, %add3A_161, %add3A_170, %add3A_179 : vector<16xf32>, vector<16xf32>, vector<16xf32>, vector<16xf32>, vector<16xf32>, vector<16xf32>, vector<16xf32>, vector<16xf32>
    }
    %swap3A = arith.constant 0 : index
    %swap3A_81 = tpu.vector_load %arg10[%swap3A] {strides = array<i32>} : memref<128xf32, #tpu.memory_space<vmem>>, vector<16xf32>,
    tpu.vector_store %arg10[%swap3A], %while3A_80#0 {strides = array<i32>} : memref<128xf32, #tpu.memory_space<vmem>>, vector<16xf32>,
    %swap3A_82 = arith.constant 16 : index
    %swap3A_83 = tpu.vector_load %arg10[%swap3A_82] {strides = array<i32>} : memref<128xf32, #tpu.memory_space<vmem>>, vector<16xf32>,
    tpu.vector_store %arg10[%swap3A_82], %while3A_80#1 {strides = array<i32>} : memref<128xf32, #tpu.memory_space<vmem>>, vector<16xf32>,
    %swap3A_84 = arith.constant 32 : index
    %swap3A_85 = tpu.vector_load %arg10[%swap3A_84] {strides = array<i32>} : memref<128xf32, #tpu.memory_space<vmem>>, vector<16xf32>,
    tpu.vector_store %arg10[%swap3A_84], %while3A_80#2 {strides = array<i32>} : memref<128xf32, #tpu.memory_space<vmem>>, vector<16xf32>,
    %swap3A_86 = arith.constant 48 : index
    %swap3A_87 = tpu.vector_load %arg10[%swap3A_86] {strides = array<i32>} : memref<128xf32, #tpu.memory_space<vmem>>, vector<16xf32>,
    tpu.vector_store %arg10[%swap3A_86], %while3A_80#3 {strides = array<i32>} : memref<128xf32, #tpu.memory_space<vmem>>, vector<16xf32>,
    %swap3A_88 = arith.constant 64 : index
    %swap3A_89 = tpu.vector_load %arg10[%swap3A_88] {strides = array<i32>} : memref<128xf32, #tpu.memory_space<vmem>>, vector<16xf32>,
    tpu.vector_store %arg10[%swap3A_88], %while3A_80#4 {strides = array<i32>} : memref<128xf32, #tpu.memory_space<vmem>>, vector<16xf32>,
    %swap3A_90 = arith.constant 80 : index
    %swap3A_91 = tpu.vector_load %arg10[%swap3A_90] {strides = array<i32>} : memref<128xf32, #tpu.memory_space<vmem>>, vector<16xf32>,
    tpu.vector_store %arg10[%swap3A_90], %while3A_80#5 {strides = array<i32>} : memref<128xf32, #tpu.memory_space<vmem>>, vector<16xf32>,
    %swap3A_92 = arith.constant 96 : index
    %swap3A_93 = tpu.vector_load %arg10[%swap3A_92] {strides = array<i32>} : memref<128xf32, #tpu.memory_space<vmem>>, vector<16xf32>,
    tpu.vector_store %arg10[%swap3A_92], %while3A_80#6 {strides = array<i32>} : memref<128xf32, #tpu.memory_space<vmem>>, vector<16xf32>,
    %swap3A_94 = arith.constant 112 : index
    %swap3A_95 = tpu.vector_load %arg10[%swap3A_94] {strides = array<i32>} : memref<128xf32, #tpu.memory_space<vmem>>, vector<16xf32>,
    tpu.vector_store %arg10[%swap3A_94], %while3A_80#7 {strides = array<i32>} : memref<128xf32, #tpu.memory_space<vmem>>, vector<16xf32>,
    "tpu.region"() ({
      %run_scoped3A = tpu.sem_alloc : memref<!tpu.dma_semaphore, #tpu.memory_space<semaphore_mem>>
      %dma_start3A = arith.constant 0 : i32
      %dma_start3A_101 = tpu.memref_slice %arg11[%arg1, %dma_start3A] : memref<16x128xf32, #tpu.memory_space<vmem_shared>> -> memref<1x128xf32, #tpu.memory_space<vmem_shared>>
      %dma_start3A_102 = tpu.memref_squeeze %dma_start3A_101 : memref<1x128xf32, #tpu.memory_space<vmem_shared>> -> memref<128xf32, #tpu.memory_space<vmem_shared>>
      %dma_start3A_103 = arith.constant 0 : i32
      %dma_start3A_104 = tpu.memref_slice %arg11[%arg1, %dma_start3A_103] : memref<16x128xf32, #tpu.memory_space<vmem_shared>> -> memref<1x128xf32, #tpu.memory_space<vmem_shared>>
      %dma_start3A_105 = tpu.memref_squeeze %dma_start3A_104 : memref<1x128xf32, #tpu.memory_space<vmem_shared>> -> memref<128xf32, #tpu.memory_space<vmem_shared>>
      tpu.enqueue_dma source(%arg10 : memref<128xf32, #tpu.memory_space<vmem>>) target(%dma_start3A_105 : memref<128xf32, #tpu.memory_space<vmem_shared>>) target_semaphore(%run_scoped3A : memref<!tpu.dma_semaphore, #tpu.memory_space<semaphore_mem>>)
      %dma_wait3A = arith.constant 0 : i32
      %dma_wait3A_106 = tpu.memref_slice %arg11[%arg1, %dma_wait3A] : memref<16x128xf32, #tpu.memory_space<vmem_shared>> -> memref<1x128xf32, #tpu.memory_space<vmem_shared>>
      %dma_wait3A_107 = tpu.memref_squeeze %dma_wait3A_106 : memref<1x128xf32, #tpu.memory_space<vmem_shared>> -> memref<128xf32, #tpu.memory_space<vmem_shared>>
      %dma_wait3A_108 = arith.constant 0 : i32
      %dma_wait3A_109 = tpu.memref_slice %arg11[%arg1, %dma_wait3A_108] : memref<16x128xf32, #tpu.memory_space<vmem_shared>> -> memref<1x128xf32, #tpu.memory_space<vmem_shared>>
      %dma_wait3A_110 = tpu.memref_squeeze %dma_wait3A_109 : memref<1x128xf32, #tpu.memory_space<vmem_shared>> -> memref<128xf32, #tpu.memory_space<vmem_shared>>
      tpu.wait_dma2 semaphore(%run_scoped3A : memref<!tpu.dma_semaphore, #tpu.memory_space<semaphore_mem>>) src(%arg10 : memref<128xf32, #tpu.memory_space<vmem>>) dst(%dma_wait3A_110 : memref<128xf32, #tpu.memory_space<vmem_shared>>)
      tpu.yield
    }) : () -> ()
    %barrier3A = arith.constant 0 : index
    tpu.barrier barrier_id(%barrier3A)
    %eq3A_96 = arith.constant 0 : i32
    %eq3A_97 = arith.cmpi eq, %select_n3A_28, %eq3A_96 : i32
    %convert_element_type3A_98 = arith.extui %eq3A_97 : i1 to i32
    %cond3A_99 = arith.constant 0 : i32
    %cond3A_100 = arith.cmpi ne, %convert_element_type3A_98, %cond3A_99 : i32
    scf.if %cond3A_100 {
      %mul3A_101 = arith.constant 4 : i32
      %mul3A_102 = arith.muli %select_n3A, %mul3A_101 : i32
      "tpu.region"() ({
        %run_scoped3A = tpu.sem_alloc : memref<!tpu.dma_semaphore, #tpu.memory_space<semaphore_mem>>
        %dma_start3A = arith.constant 0 : i32
        %dma_start3A_270 = tpu.memref_slice %arg11[%mul3A_102, %dma_start3A] : memref<16x128xf32, #tpu.memory_space<vmem_shared>> -> memref<4x128xf32, #tpu.memory_space<vmem_shared>>
        %dma_start3A_271 = arith.constant 0 : i32
        %dma_start3A_272 = tpu.memref_slice %arg11[%mul3A_102, %dma_start3A_271] : memref<16x128xf32, #tpu.memory_space<vmem_shared>> -> memref<4x128xf32, #tpu.memory_space<vmem_shared>>
        tpu.enqueue_dma source(%dma_start3A_272 : memref<4x128xf32, #tpu.memory_space<vmem_shared>>) target(%arg9 : memref<4x128xf32, #tpu.memory_space<vmem>>) target_semaphore(%run_scoped3A : memref<!tpu.dma_semaphore, #tpu.memory_space<semaphore_mem>>)
        %dma_wait3A = arith.constant 0 : i32
        %dma_wait3A_273 = tpu.memref_slice %arg11[%mul3A_102, %dma_wait3A] : memref<16x128xf32, #tpu.memory_space<vmem_shared>> -> memref<4x128xf32, #tpu.memory_space<vmem_shared>>
        %dma_wait3A_274 = arith.constant 0 : i32
        %dma_wait3A_275 = tpu.memref_slice %arg11[%mul3A_102, %dma_wait3A_274] : memref<16x128xf32, #tpu.memory_space<vmem_shared>> -> memref<4x128xf32, #tpu.memory_space<vmem_shared>>
        tpu.wait_dma2 semaphore(%run_scoped3A : memref<!tpu.dma_semaphore, #tpu.memory_space<semaphore_mem>>) src(%dma_wait3A_275 : memref<4x128xf32, #tpu.memory_space<vmem_shared>>) dst(%arg9 : memref<4x128xf32, #tpu.memory_space<vmem>>)
        tpu.yield
      }) : () -> ()
      %get3A = arith.constant 0 : i32
      %get3A_103 = arith.index_cast %get3A : i32 to index
      %get3A_104 = arith.constant 0 : index
      %get3A_105 = tpu.vector_load %arg9[%get3A_103, %get3A_104] {strides = array<i32>} : memref<4x128xf32, #tpu.memory_space<vmem>>, vector<16xf32>,
      %get3A_106 = arith.constant 1 : i32
      %get3A_107 = arith.index_cast %get3A_106 : i32 to index
      %get3A_108 = arith.constant 0 : index
      %get3A_109 = tpu.vector_load %arg9[%get3A_107, %get3A_108] {strides = array<i32>} : memref<4x128xf32, #tpu.memory_space<vmem>>, vector<16xf32>,
      %add3A_110 = arith.addf %get3A_105, %get3A_109 : vector<16xf32>
      %get3A_111 = arith.constant 2 : i32
      %get3A_112 = arith.index_cast %get3A_111 : i32 to index
      %get3A_113 = arith.constant 0 : index
      %get3A_114 = tpu.vector_load %arg9[%get3A_112, %get3A_113] {strides = array<i32>} : memref<4x128xf32, #tpu.memory_space<vmem>>, vector<16xf32>,
      %add3A_115 = arith.addf %add3A_110, %get3A_114 : vector<16xf32>
      %get3A_116 = arith.constant 3 : i32
      %get3A_117 = arith.index_cast %get3A_116 : i32 to index
      %get3A_118 = arith.constant 0 : index
      %get3A_119 = tpu.vector_load %arg9[%get3A_117, %get3A_118] {strides = array<i32>} : memref<4x128xf32, #tpu.memory_space<vmem>>, vector<16xf32>,
      %add3A_120 = arith.addf %add3A_115, %get3A_119 : vector<16xf32>
      %swap3A_121 = arith.constant 0 : index
      %swap3A_122 = tpu.vector_load %arg10[%swap3A_121] {strides = array<i32>} : memref<128xf32, #tpu.memory_space<vmem>>, vector<16xf32>,
      tpu.vector_store %arg10[%swap3A_121], %add3A_120 {strides = array<i32>} : memref<128xf32, #tpu.memory_space<vmem>>, vector<16xf32>,
      %get3A_123 = arith.constant 0 : i32
      %get3A_124 = arith.index_cast %get3A_123 : i32 to index
      %get3A_125 = arith.constant 16 : index
      %get3A_126 = tpu.vector_load %arg9[%get3A_124, %get3A_125] {strides = array<i32>} : memref<4x128xf32, #tpu.memory_space<vmem>>, vector<16xf32>,
      %get3A_127 = arith.constant 1 : i32
      %get3A_128 = arith.index_cast %get3A_127 : i32 to index
      %get3A_129 = arith.constant 16 : index
      %get3A_130 = tpu.vector_load %arg9[%get3A_128, %get3A_129] {strides = array<i32>} : memref<4x128xf32, #tpu.memory_space<vmem>>, vector<16xf32>,
      %add3A_131 = arith.addf %get3A_126, %get3A_130 : vector<16xf32>
      %get3A_132 = arith.constant 2 : i32
      %get3A_133 = arith.index_cast %get3A_132 : i32 to index
      %get3A_134 = arith.constant 16 : index
      %get3A_135 = tpu.vector_load %arg9[%get3A_133, %get3A_134] {strides = array<i32>} : memref<4x128xf32, #tpu.memory_space<vmem>>, vector<16xf32>,
      %add3A_136 = arith.addf %add3A_131, %get3A_135 : vector<16xf32>
      %get3A_137 = arith.constant 3 : i32
      %get3A_138 = arith.index_cast %get3A_137 : i32 to index
      %get3A_139 = arith.constant 16 : index
      %get3A_140 = tpu.vector_load %arg9[%get3A_138, %get3A_139] {strides = array<i32>} : memref<4x128xf32, #tpu.memory_space<vmem>>, vector<16xf32>,
      %add3A_141 = arith.addf %add3A_136, %get3A_140 : vector<16xf32>
      %swap3A_142 = arith.constant 16 : index
      %swap3A_143 = tpu.vector_load %arg10[%swap3A_142] {strides = array<i32>} : memref<128xf32, #tpu.memory_space<vmem>>, vector<16xf32>,
      tpu.vector_store %arg10[%swap3A_142], %add3A_141 {strides = array<i32>} : memref<128xf32, #tpu.memory_space<vmem>>, vector<16xf32>,
      %get3A_144 = arith.constant 0 : i32
      %get3A_145 = arith.index_cast %get3A_144 : i32 to index
      %get3A_146 = arith.constant 32 : index
      %get3A_147 = tpu.vector_load %arg9[%get3A_145, %get3A_146] {strides = array<i32>} : memref<4x128xf32, #tpu.memory_space<vmem>>, vector<16xf32>,
      %get3A_148 = arith.constant 1 : i32
      %get3A_149 = arith.index_cast %get3A_148 : i32 to index
      %get3A_150 = arith.constant 32 : index
      %get3A_151 = tpu.vector_load %arg9[%get3A_149, %get3A_150] {strides = array<i32>} : memref<4x128xf32, #tpu.memory_space<vmem>>, vector<16xf32>,
      %add3A_152 = arith.addf %get3A_147, %get3A_151 : vector<16xf32>
      %get3A_153 = arith.constant 2 : i32
      %get3A_154 = arith.index_cast %get3A_153 : i32 to index
      %get3A_155 = arith.constant 32 : index
      %get3A_156 = tpu.vector_load %arg9[%get3A_154, %get3A_155] {strides = array<i32>} : memref<4x128xf32, #tpu.memory_space<vmem>>, vector<16xf32>,
      %add3A_157 = arith.addf %add3A_152, %get3A_156 : vector<16xf32>
      %get3A_158 = arith.constant 3 : i32
      %get3A_159 = arith.index_cast %get3A_158 : i32 to index
      %get3A_160 = arith.constant 32 : index
      %get3A_161 = tpu.vector_load %arg9[%get3A_159, %get3A_160] {strides = array<i32>} : memref<4x128xf32, #tpu.memory_space<vmem>>, vector<16xf32>,
      %add3A_162 = arith.addf %add3A_157, %get3A_161 : vector<16xf32>
      %swap3A_163 = arith.constant 32 : index
      %swap3A_164 = tpu.vector_load %arg10[%swap3A_163] {strides = array<i32>} : memref<128xf32, #tpu.memory_space<vmem>>, vector<16xf32>,
      tpu.vector_store %arg10[%swap3A_163], %add3A_162 {strides = array<i32>} : memref<128xf32, #tpu.memory_space<vmem>>, vector<16xf32>,
      %get3A_165 = arith.constant 0 : i32
      %get3A_166 = arith.index_cast %get3A_165 : i32 to index
      %get3A_167 = arith.constant 48 : index
      %get3A_168 = tpu.vector_load %arg9[%get3A_166, %get3A_167] {strides = array<i32>} : memref<4x128xf32, #tpu.memory_space<vmem>>, vector<16xf32>,
      %get3A_169 = arith.constant 1 : i32
      %get3A_170 = arith.index_cast %get3A_169 : i32 to index
      %get3A_171 = arith.constant 48 : index
      %get3A_172 = tpu.vector_load %arg9[%get3A_170, %get3A_171] {strides = array<i32>} : memref<4x128xf32, #tpu.memory_space<vmem>>, vector<16xf32>,
      %add3A_173 = arith.addf %get3A_168, %get3A_172 : vector<16xf32>
      %get3A_174 = arith.constant 2 : i32
      %get3A_175 = arith.index_cast %get3A_174 : i32 to index
      %get3A_176 = arith.constant 48 : index
      %get3A_177 = tpu.vector_load %arg9[%get3A_175, %get3A_176] {strides = array<i32>} : memref<4x128xf32, #tpu.memory_space<vmem>>, vector<16xf32>,
      %add3A_178 = arith.addf %add3A_173, %get3A_177 : vector<16xf32>
      %get3A_179 = arith.constant 3 : i32
      %get3A_180 = arith.index_cast %get3A_179 : i32 to index
      %get3A_181 = arith.constant 48 : index
      %get3A_182 = tpu.vector_load %arg9[%get3A_180, %get3A_181] {strides = array<i32>} : memref<4x128xf32, #tpu.memory_space<vmem>>, vector<16xf32>,
      %add3A_183 = arith.addf %add3A_178, %get3A_182 : vector<16xf32>
      %swap3A_184 = arith.constant 48 : index
      %swap3A_185 = tpu.vector_load %arg10[%swap3A_184] {strides = array<i32>} : memref<128xf32, #tpu.memory_space<vmem>>, vector<16xf32>,
      tpu.vector_store %arg10[%swap3A_184], %add3A_183 {strides = array<i32>} : memref<128xf32, #tpu.memory_space<vmem>>, vector<16xf32>,
      %get3A_186 = arith.constant 0 : i32
      %get3A_187 = arith.index_cast %get3A_186 : i32 to index
      %get3A_188 = arith.constant 64 : index
      %get3A_189 = tpu.vector_load %arg9[%get3A_187, %get3A_188] {strides = array<i32>} : memref<4x128xf32, #tpu.memory_space<vmem>>, vector<16xf32>,
      %get3A_190 = arith.constant 1 : i32
      %get3A_191 = arith.index_cast %get3A_190 : i32 to index
      %get3A_192 = arith.constant 64 : index
      %get3A_193 = tpu.vector_load %arg9[%get3A_191, %get3A_192] {strides = array<i32>} : memref<4x128xf32, #tpu.memory_space<vmem>>, vector<16xf32>,
      %add3A_194 = arith.addf %get3A_189, %get3A_193 : vector<16xf32>
      %get3A_195 = arith.constant 2 : i32
      %get3A_196 = arith.index_cast %get3A_195 : i32 to index
      %get3A_197 = arith.constant 64 : index
      %get3A_198 = tpu.vector_load %arg9[%get3A_196, %get3A_197] {strides = array<i32>} : memref<4x128xf32, #tpu.memory_space<vmem>>, vector<16xf32>,
      %add3A_199 = arith.addf %add3A_194, %get3A_198 : vector<16xf32>
      %get3A_200 = arith.constant 3 : i32
      %get3A_201 = arith.index_cast %get3A_200 : i32 to index
      %get3A_202 = arith.constant 64 : index
      %get3A_203 = tpu.vector_load %arg9[%get3A_201, %get3A_202] {strides = array<i32>} : memref<4x128xf32, #tpu.memory_space<vmem>>, vector<16xf32>,
      %add3A_204 = arith.addf %add3A_199, %get3A_203 : vector<16xf32>
      %swap3A_205 = arith.constant 64 : index
      %swap3A_206 = tpu.vector_load %arg10[%swap3A_205] {strides = array<i32>} : memref<128xf32, #tpu.memory_space<vmem>>, vector<16xf32>,
      tpu.vector_store %arg10[%swap3A_205], %add3A_204 {strides = array<i32>} : memref<128xf32, #tpu.memory_space<vmem>>, vector<16xf32>,
      %get3A_207 = arith.constant 0 : i32
      %get3A_208 = arith.index_cast %get3A_207 : i32 to index
      %get3A_209 = arith.constant 80 : index
      %get3A_210 = tpu.vector_load %arg9[%get3A_208, %get3A_209] {strides = array<i32>} : memref<4x128xf32, #tpu.memory_space<vmem>>, vector<16xf32>,
      %get3A_211 = arith.constant 1 : i32
      %get3A_212 = arith.index_cast %get3A_211 : i32 to index
      %get3A_213 = arith.constant 80 : index
      %get3A_214 = tpu.vector_load %arg9[%get3A_212, %get3A_213] {strides = array<i32>} : memref<4x128xf32, #tpu.memory_space<vmem>>, vector<16xf32>,
      %add3A_215 = arith.addf %get3A_210, %get3A_214 : vector<16xf32>
      %get3A_216 = arith.constant 2 : i32
      %get3A_217 = arith.index_cast %get3A_216 : i32 to index
      %get3A_218 = arith.constant 80 : index
      %get3A_219 = tpu.vector_load %arg9[%get3A_217, %get3A_218] {strides = array<i32>} : memref<4x128xf32, #tpu.memory_space<vmem>>, vector<16xf32>,
      %add3A_220 = arith.addf %add3A_215, %get3A_219 : vector<16xf32>
      %get3A_221 = arith.constant 3 : i32
      %get3A_222 = arith.index_cast %get3A_221 : i32 to index
      %get3A_223 = arith.constant 80 : index
      %get3A_224 = tpu.vector_load %arg9[%get3A_222, %get3A_223] {strides = array<i32>} : memref<4x128xf32, #tpu.memory_space<vmem>>, vector<16xf32>,
      %add3A_225 = arith.addf %add3A_220, %get3A_224 : vector<16xf32>
      %swap3A_226 = arith.constant 80 : index
      %swap3A_227 = tpu.vector_load %arg10[%swap3A_226] {strides = array<i32>} : memref<128xf32, #tpu.memory_space<vmem>>, vector<16xf32>,
      tpu.vector_store %arg10[%swap3A_226], %add3A_225 {strides = array<i32>} : memref<128xf32, #tpu.memory_space<vmem>>, vector<16xf32>,
      %get3A_228 = arith.constant 0 : i32
      %get3A_229 = arith.index_cast %get3A_228 : i32 to index
      %get3A_230 = arith.constant 96 : index
      %get3A_231 = tpu.vector_load %arg9[%get3A_229, %get3A_230] {strides = array<i32>} : memref<4x128xf32, #tpu.memory_space<vmem>>, vector<16xf32>,
      %get3A_232 = arith.constant 1 : i32
      %get3A_233 = arith.index_cast %get3A_232 : i32 to index
      %get3A_234 = arith.constant 96 : index
      %get3A_235 = tpu.vector_load %arg9[%get3A_233, %get3A_234] {strides = array<i32>} : memref<4x128xf32, #tpu.memory_space<vmem>>, vector<16xf32>,
      %add3A_236 = arith.addf %get3A_231, %get3A_235 : vector<16xf32>
      %get3A_237 = arith.constant 2 : i32
      %get3A_238 = arith.index_cast %get3A_237 : i32 to index
      %get3A_239 = arith.constant 96 : index
      %get3A_240 = tpu.vector_load %arg9[%get3A_238, %get3A_239] {strides = array<i32>} : memref<4x128xf32, #tpu.memory_space<vmem>>, vector<16xf32>,
      %add3A_241 = arith.addf %add3A_236, %get3A_240 : vector<16xf32>
      %get3A_242 = arith.constant 3 : i32
      %get3A_243 = arith.index_cast %get3A_242 : i32 to index
      %get3A_244 = arith.constant 96 : index
      %get3A_245 = tpu.vector_load %arg9[%get3A_243, %get3A_244] {strides = array<i32>} : memref<4x128xf32, #tpu.memory_space<vmem>>, vector<16xf32>,
      %add3A_246 = arith.addf %add3A_241, %get3A_245 : vector<16xf32>
      %swap3A_247 = arith.constant 96 : index
      %swap3A_248 = tpu.vector_load %arg10[%swap3A_247] {strides = array<i32>} : memref<128xf32, #tpu.memory_space<vmem>>, vector<16xf32>,
      tpu.vector_store %arg10[%swap3A_247], %add3A_246 {strides = array<i32>} : memref<128xf32, #tpu.memory_space<vmem>>, vector<16xf32>,
      %get3A_249 = arith.constant 0 : i32
      %get3A_250 = arith.index_cast %get3A_249 : i32 to index
      %get3A_251 = arith.constant 112 : index
      %get3A_252 = tpu.vector_load %arg9[%get3A_250, %get3A_251] {strides = array<i32>} : memref<4x128xf32, #tpu.memory_space<vmem>>, vector<16xf32>,
      %get3A_253 = arith.constant 1 : i32
      %get3A_254 = arith.index_cast %get3A_253 : i32 to index
      %get3A_255 = arith.constant 112 : index
      %get3A_256 = tpu.vector_load %arg9[%get3A_254, %get3A_255] {strides = array<i32>} : memref<4x128xf32, #tpu.memory_space<vmem>>, vector<16xf32>,
      %add3A_257 = arith.addf %get3A_252, %get3A_256 : vector<16xf32>
      %get3A_258 = arith.constant 2 : i32
      %get3A_259 = arith.index_cast %get3A_258 : i32 to index
      %get3A_260 = arith.constant 112 : index
      %get3A_261 = tpu.vector_load %arg9[%get3A_259, %get3A_260] {strides = array<i32>} : memref<4x128xf32, #tpu.memory_space<vmem>>, vector<16xf32>,
      %add3A_262 = arith.addf %add3A_257, %get3A_261 : vector<16xf32>
      %get3A_263 = arith.constant 3 : i32
      %get3A_264 = arith.index_cast %get3A_263 : i32 to index
      %get3A_265 = arith.constant 112 : index
      %get3A_266 = tpu.vector_load %arg9[%get3A_264, %get3A_265] {strides = array<i32>} : memref<4x128xf32, #tpu.memory_space<vmem>>, vector<16xf32>,
      %add3A_267 = arith.addf %add3A_262, %get3A_266 : vector<16xf32>
      %swap3A_268 = arith.constant 112 : index
      %swap3A_269 = tpu.vector_load %arg10[%swap3A_268] {strides = array<i32>} : memref<128xf32, #tpu.memory_space<vmem>>, vector<16xf32>,
      tpu.vector_store %arg10[%swap3A_268], %add3A_267 {strides = array<i32>} : memref<128xf32, #tpu.memory_space<vmem>>, vector<16xf32>,
      "tpu.region"() ({
        %run_scoped3A = tpu.sem_alloc : memref<!tpu.dma_semaphore, #tpu.memory_space<semaphore_mem>>
        %dma_start3A = tpu.memref_slice %arg5[%add3A_32] : memref<1024xf32, #tpu.memory_space<hbm>> -> memref<128xf32, #tpu.memory_space<hbm>>
        %dma_start3A_270 = tpu.memref_slice %arg5[%add3A_32] : memref<1024xf32, #tpu.memory_space<hbm>> -> memref<128xf32, #tpu.memory_space<hbm>>
        tpu.enqueue_dma source(%arg10 : memref<128xf32, #tpu.memory_space<vmem>>) target(%dma_start3A_270 : memref<128xf32, #tpu.memory_space<hbm>>) target_semaphore(%run_scoped3A : memref<!tpu.dma_semaphore, #tpu.memory_space<semaphore_mem>>)
        %dma_wait3A = tpu.memref_slice %arg5[%add3A_32] : memref<1024xf32, #tpu.memory_space<hbm>> -> memref<128xf32, #tpu.memory_space<hbm>>
        %dma_wait3A_271 = tpu.memref_slice %arg5[%add3A_32] : memref<1024xf32, #tpu.memory_space<hbm>> -> memref<128xf32, #tpu.memory_space<hbm>>
        tpu.wait_dma2 semaphore(%run_scoped3A : memref<!tpu.dma_semaphore, #tpu.memory_space<semaphore_mem>>) src(%arg10 : memref<128xf32, #tpu.memory_space<vmem>>) dst(%dma_wait3A_271 : memref<128xf32, #tpu.memory_space<hbm>>)
        tpu.yield
      }) : () -> ()
    } else {
    }
    return
  }
}

module attributes {stable_mosaic.version = 14 : i64} {
  func.func @body(%arg0: i32, %arg1: memref<1x128xf32, #tpu.memory_space<vmem>>, %arg2: memref<200x128xi32, #tpu.memory_space<vmem>>, %arg3: memref<200x128xf32, #tpu.memory_space<vmem>>, %arg4: memref<128x200x128xf32, #tpu.memory_space<vmem>>, %arg5: memref<128x200x128xf32, #tpu.memory_space<vmem>>) attributes {dimension_semantics = [#tpu.dimension_semantics<arbitrary>], iteration_bounds = array<i64: 8>, scalar_prefetch = 0 : i64, scratch_operands = 0 : i64, tpu.core_type = #tpu.core_type<tc>, window_params = [{pipeline_mode = #tpu.pipeline_mode<synchronous>, transform_indices = @transform_0, window_bounds = array<i64: 1, 128>}, {transform_indices = @transform_1, window_bounds = array<i64: 200, 128>}, {transform_indices = @transform_2, window_bounds = array<i64: 200, 128>}, {transform_indices = @transform_3, window_bounds = array<i64: 128, 200, 128>}, {transform_indices = @transform_4, window_bounds = array<i64: 128, 200, 128>}]} {
    %get3A = arith.constant 0 : index
    %get3A_0 = arith.constant 0 : index
    %get3A_1 = vector.load %arg1[%get3A, %get3A_0] : memref<1x128xf32, #tpu.memory_space<vmem>>, vector<1x128xf32>
    %broadcast_in_dim3A = vector.shape_cast %get3A_1 : vector<1x128xf32> to vector<1x128xf32>
    %broadcast_in_dim3A_2 = vector.broadcast %broadcast_in_dim3A : vector<1x128xf32> to vector<200x128xf32>
    %get3A_3 = arith.constant 0 : index
    %get3A_4 = arith.constant 0 : index
    %get3A_5 = vector.load %arg2[%get3A_3, %get3A_4] : memref<200x128xi32, #tpu.memory_space<vmem>>, vector<200x128xi32>
    %lt3A = arith.constant 0 : i32
    %lt3A_6 = vector.broadcast %lt3A : i32 to vector<200x128xi32>
    %lt3A_7 = arith.cmpi slt, %get3A_5, %lt3A_6 : vector<200x128xi32>
    %add3A = arith.constant 128 : i32
    %add3A_8 = vector.broadcast %add3A : i32 to vector<200x128xi32>
    %add3A_9 = arith.addi %get3A_5, %add3A_8 : vector<200x128xi32>
    %select_n3A = arith.select %lt3A_7, %add3A_9, %get3A_5 : vector<200x128xi1>, vector<200x128xi32>
    %reshape3A = vector.shape_cast %select_n3A : vector<200x128xi32> to vector<200x128x1xi32>
    %gather3A = vector.shape_cast %reshape3A : vector<200x128x1xi32> to vector<200x128xi32>
    %gather3A_10 = tpu.dynamic_gather %broadcast_in_dim3A_2[%gather3A] in [1] : vector<200x128xf32>, vector<200x128xi32> -> vector<200x128xf32>
    %get3A_11 = arith.constant 0 : index
    %get3A_12 = arith.constant 0 : index
    %get3A_13 = vector.load %arg3[%get3A_11, %get3A_12] : memref<200x128xf32, #tpu.memory_space<vmem>>, vector<200x128xf32>
    %mul3A = arith.mulf %gather3A_10, %get3A_13 : vector<200x128xf32>
    %transpose3A = tpu.transpose %mul3A, [1, 0] : vector<200x128xf32> -> vector<128x200xf32>
    %get3A_14 = arith.constant 0 : index
    %get3A_15 = arith.constant 0 : index
    %get3A_16 = arith.constant 0 : index
    %get3A_17 = vector.load %arg4[%get3A_14, %get3A_15, %get3A_16] : memref<128x200x128xf32, #tpu.memory_space<vmem>>, vector<128x200x128xf32>
    %broadcast_in_dim3A_18 = vector.shape_cast %transpose3A : vector<128x200xf32> to vector<128x200x1xf32>
    %mul3A_19 = vector.broadcast %broadcast_in_dim3A_18 : vector<128x200x1xf32> to vector<128x200x128xf32>
    %mul3A_20 = arith.mulf %get3A_17, %mul3A_19 : vector<128x200x128xf32>
    %swap3A = arith.constant 0 : index
    %swap3A_21 = arith.constant 0 : index
    %swap3A_22 = arith.constant 0 : index
    %swap3A_23 = vector.load %arg5[%swap3A, %swap3A_21, %swap3A_22] : memref<128x200x128xf32, #tpu.memory_space<vmem>>, vector<128x200x128xf32>
    tpu.vector_store %arg5[%swap3A, %swap3A_21, %swap3A_22], %mul3A_20 {strides = array<i32>} : memref<128x200x128xf32, #tpu.memory_space<vmem>>, vector<128x200x128xf32>,
    return
  }
  func.func @transform_0(%arg0: i32) -> (i32, i32) {
    %c0_i32 = arith.constant 0 : i32
    %c0_i32_0 = arith.constant 0 : i32
    %c0_i32_1 = arith.constant 0 : i32
    return %c0_i32, %c0_i32_0 : i32, i32
  }
  func.func @transform_1(%arg0: i32) -> (i32, i32) {
    %c0_i32 = arith.constant 0 : i32
    %c0_i32_0 = arith.constant 0 : i32
    return %c0_i32, %arg0 : i32, i32
  }
  func.func @transform_2(%arg0: i32) -> (i32, i32) {
    %c0_i32 = arith.constant 0 : i32
    %c0_i32_0 = arith.constant 0 : i32
    return %c0_i32, %arg0 : i32, i32
  }
  func.func @transform_3(%arg0: i32) -> (i32, i32, i32) {
    %c0_i32 = arith.constant 0 : i32
    %c0_i32_0 = arith.constant 0 : i32
    %c0_i32_1 = arith.constant 0 : i32
    return %arg0, %c0_i32, %c0_i32_0 : i32, i32, i32
  }
  func.func @transform_4(%arg0: i32) -> (i32, i32, i32) {
    %c0_i32 = arith.constant 0 : i32
    %c0_i32_0 = arith.constant 0 : i32
    %c0_i32_1 = arith.constant 0 : i32
    return %arg0, %c0_i32, %c0_i32_0 : i32, i32, i32
  }
}

</mosaic_0001>

<sc_bundles>
// kernel: kernel.4.cloned.1.call-start
scs
__scs_entry_jumppad:
0x0: {  	(pc) =	sbr.rel $0x88, $3  }
0x1: {  	(tag) =	ssettag $0x0;
	lr =	simm.s32 $0x1  }
0x2: {  	[smem:$0x3F9D] =	sst lr;
	_ =	strace $0xD0000000  }
0x3: {  	_ = 	snop  }
0x4: {  	_ = 	snop  }
0x5: {  	_ = 	snop  }
0x6: {  	_ = 	snop  }
0x7: {  	_ = 	snop  }
__scs_overlays_trampoline_lowered:
0x8: {  	[smem:$0x3FAC] =	sst s0  }
0x9: {  	[smem:$0x3FAD] =	sst s1  }
0xa: {  	[smem:$0x3FAE] =	sst s2  }
0xb: {  	[smem:$0x3FAF] =	sst s3  }
0xc: {  	[smem:$0x3FB0] =	sst s4  }
0xd: {  	[smem:$0x3FB1] =	sst s5  }
0xe: {  	[smem:$0x3FB2] =	sst s6  }
0xf: {  	[smem:$0x3FB3] =	sst s7  }
0x10: {  	[smem:$0x3FB4] =	sst s8  }
0x11: {  	[smem:$0x3FB5] =	sst s9;
	s0 =	simm.s32 @!p0 $0x0  }
0x12: {  	s1 =	sld [smem:$0x3F9B];
	s0 =	simm.s32 @p0 $0x1  }
0x13: {  	[smem:$0x3FB6] =	sst s0;
	s0 =	simm.s32 @!p1 $0x0  }
0x14: {  	s2 =	sld [smem:$0x3F9A];
	s0 =	simm.s32 @p1 $0x1  }
0x15: {  	[smem:$0x3FB7] =	sst s0;
	s0 =	simm.s32 @!p2 $0x0  }
0x16: {  	s3 =	sld [smem:$0x3FDB];
	s0 =	simm.s32 @p2 $0x1  }
0x17: {  	s4 =	simm.s32 $0x1BF5;
	[smem:$0x3FB9] =	sst s0  }
0x18: {  	s0 =	sld [smem:$0x3F9C];
	_ =	swait.ge [sflag:s4], $0x0  }
0x19: {  	s7 =	sld [smem:$0x3F9D]  }
0x1a: {  	s8 =	sadd.s32 $0xFFFFE003, lr  }
0x1b: {  	s9 =	sadd.s32 $0xFFFFFEF7, lr;
	s5 =	simm.s32 $0xFFFFFFFF;
	p2 =	slt.u32 s8, $0xFFFFF086  }
0x1c: {  	p1 =	slt.u32 s9, $0xF7A;
	s5 =	simm.s32 @!p2 $0x0  }
0x1d: {  	s5 =	simm.s32 @p1 $0x1;
	p0 =	seq.s32 s7, s2  }
0x1e: {  	s7 =	smul.u32 @!p0 $0xF7A, s2;
	p2 =	seq.s32 @!p0 s5, $0x0  }
0x1f: {  	s9 =	smul.u32 $0xF7A, s1;
	s8 =	simm.s32 @!p0 $0x1BF5;
	p2 =	por !p2, p0  }
0x20: {  	[sflag:s8] =	ssyncset.s32 @!p0 $0xFFFFF086;
	s6 =	sadd.s32 @!p0 s3, s7;
	s7 =	simm.s32 @!p0 $0x108  }
0x21: {  	s3 =	sadd.s32 s3, s9;
	s6 =	sadd.s32 @!p0 $0x88, s6;
	s7 =	simm.s32 @p2 $0x1082  }
0x22: {  	[simem:s7], [sflag:s8] =	dma.local @!p0 [hbm:s6], $0xF7A  }
0x23: {  	s9 =	sor.u32 $0xD0000000, s2;
	s6 =	simm.s32 $0x108;
	_ =	swait.ge @!p0 [sflag:s8], $0x0  }
0x24: {  	s3 =	sadd.s32 $0x88, s3;
	s6 =	simm.s32 @!p1 $0x1082;
	[sflag:s4] =	ssyncset.s32 $0xFFFFF086  }
0x25: {  	[simem:s6], [sflag:s4] =	dma.local [hbm:s3], $0xF7A  }
0x26: {  	[smem:$0x3F9D] =	sst s1;
	(tag) =	ssettag s2;
	_ =	strace s9  }
0x27: {  	s1 =	sld [smem:$0x3FAD]  }
0x28: {  	s2 =	sld [smem:$0x3FAE]  }
0x29: {  	s4 =	sld [smem:$0x3FB0]  }
0x2a: {  	p0 =	seq.s32 s5, $0x0;
	s5 =	sld [smem:$0x3FB1]  }
0x2b: {  	s6 =	sld [smem:$0x3FB2]  }
0x2c: {  	s7 =	sld [smem:$0x3FB3]  }
0x2d: {  	s3 =	simm.s32 $0x108;
	s8 =	sld [smem:$0x3FB4]  }
0x2e: {  	s3 =	simm.s32 @!p0 $0x1082;
	s9 =	sld [smem:$0x3FB5]  }
0x2f: {  	lr =	sadd.s32 s0, s3;
	s0 =	sld [smem:$0x3FAC]  }
0x30: {  	s3 =	sld [smem:$0x3FAF]  }
0x31: {  	[smem:$0x3FB8] =	sst s10  }
0x32: {  	s10 =	sld [smem:$0x3FB6];
	_ =	sdelay $0x3  }
0x33: {  	p0 =	seq.s32 s10, $0x1;
	s10 =	sld [smem:$0x3FB8];
	_ =	sdelay $0x3  }
0x34: {  	[smem:$0x3FB8] =	sst s10  }
0x35: {  	s10 =	sld [smem:$0x3FB7];
	_ =	sdelay $0x3  }
0x36: {  	p1 =	seq.s32 s10, $0x1;
	s10 =	sld [smem:$0x3FB8];
	_ =	sdelay $0x3  }
0x37: {  	[smem:$0x3FB8] =	sst s10  }
0x38: {  	s10 =	sld [smem:$0x3FB9]  }
0x39: {  	_ = 	snop;
	(pc) =	sbr.ind lr, $3  }
0x3a: {  	_ = 	snop  }
0x3b: {  	_ = 	snop  }
0x3c: {  	p2 =	seq.s32 s10, $0x1;
	s10 =	sld [smem:$0x3FB8]  }
0x3d: {  	_ =	shalt  }
0x3e: {  	_ =	shalt  }
0x3f: {  	_ =	shalt  }
0x40: {  	_ =	shalt  }
0x41: {  	_ =	shalt  }
0x42: {  	_ =	shalt  }
0x43: {  	_ =	shalt  }
0x44: {  	_ =	shalt  }
0x45: {  	_ =	shalt  }
0x46: {  	_ =	shalt  }
0x47: {  	_ =	shalt  }
0x48: {  	_ =	shalt  }
0x49: {  	_ =	shalt  }
0x4a: {  	_ =	shalt  }
0x4b: {  	_ =	shalt  }
0x4c: {  	_ =	shalt  }
0x4d: {  	_ =	shalt  }
0x4e: {  	_ =	shalt  }
0x4f: {  	_ =	shalt  }
0x50: {  	_ =	shalt  }
0x51: {  	_ =	shalt  }
0x52: {  	_ =	shalt  }
0x53: {  	_ =	shalt  }
0x54: {  	_ =	shalt  }
0x55: {  	_ =	shalt  }
0x56: {  	_ =	shalt  }
0x57: {  	_ =	shalt  }
0x58: {  	_ =	shalt  }
0x59: {  	_ =	shalt  }
0x5a: {  	_ =	shalt  }
0x5b: {  	_ =	shalt  }
0x5c: {  	_ =	shalt  }
0x5d: {  	_ =	shalt  }
0x5e: {  	_ =	shalt  }
0x5f: {  	_ =	shalt  }
0x60: {  	_ =	shalt  }
0x61: {  	_ =	shalt  }
0x62: {  	_ =	shalt  }
0x63: {  	_ =	shalt  }
0x64: {  	_ =	shalt  }
0x65: {  	_ =	shalt  }
0x66: {  	_ =	shalt  }
0x67: {  	_ =	shalt  }
0x68: {  	_ =	shalt  }
0x69: {  	_ =	shalt  }
0x6a: {  	_ =	shalt  }
0x6b: {  	_ =	shalt  }
0x6c: {  	_ =	shalt  }
0x6d: {  	_ =	shalt  }
0x6e: {  	_ =	shalt  }
0x6f: {  	_ =	shalt  }
0x70: {  	_ =	shalt  }
0x71: {  	_ =	shalt  }
0x72: {  	_ =	shalt  }
0x73: {  	_ =	shalt  }
0x74: {  	_ =	shalt  }
0x75: {  	_ =	shalt  }
0x76: {  	_ =	shalt  }
0x77: {  	_ =	shalt  }
0x78: {  	_ =	shalt  }
0x79: {  	_ =	shalt  }
0x7a: {  	_ =	shalt  }
0x7b: {  	_ =	shalt  }
0x7c: {  	_ =	shalt  }
0x7d: {  	_ =	shalt  }
0x7e: {  	_ =	shalt  }
0x7f: {  	_ =	shalt  }
0x80: {  	_ =	shalt  }
0x81: {  	_ =	shalt  }
0x82: {  	_ =	shalt  }
0x83: {  	_ =	shalt  }
0x84: {  	_ =	shalt  }
0x85: {  	_ =	shalt  }
0x86: {  	_ =	shalt  }
0x87: {  	_ =	shalt  }
.Lfunc_end0:
.L_simem_size_0:
called_computation_lowered:
.L_overlay_start_0:
0x88: {  	s2 =	sld [smem:$0x3FD9]  }
0x89: {  	s3 =	sld [smem:$0x3FFE];
	_ =	sdelay $0x1  }
0x8a: {  	s1 =	srdreg.scid  }
0x8b: {  	s0 =	sand.u32 $0x1, s1  }
0x8c: {  	s15 =	sshll.u32 s0, $0xA;
	s2 =	sadd.s32 s3, s2  }
0x8d: {  	s2 =	sadd.s32 s2, s15  }
0x8e: {  	[smem:$0x3FC4] =	sst s2  }
0x8f: {  	_ = 	snop  }
0x90: {  	s2 =	sld [smem:$0x3FD0]  }
0x91: {  	s16 =	sld [smem:$0x3FC9]  }
0x92: {  	s4 =	sld [smem:$0x3FC8]  }
0x93: {  	s6 =	simm.s32 $0xA;
	s7 =	simm.s32 $0x10;
	s5 =	sld [smem:$0x3FC6]  }
0x94: {  	[smem:s7], [sflag:s6] =	dma.local [hbm:s2], $0x1  }
0x95: {  	_ =	swait.eq [sflag:s6], $0x1  }
0x96: {  	[sflag:s6] =	ssyncset.done $0x0  }
0x97: {  	[sflag:s6] =	ssyncadd.s32 $0xFFFFFFFF  }
0x98: {  	s17 =	sld [smem:$0x11];
	(tm) =	ssettm $0x1  }
0x99: {  	s18 =	sld [smem:$0x3FFB];
	_ =	sdelay $0x3  }
0x9a: {  	_ =	strace s18  }
0x9b: {  	s6 =	sld [smem:$0x3FFC];
	_ =	sdelay $0x3  }
0x9c: {  	_ =	strace s6  }
0x9d: {  	s6 =	sld [smem:$0x3FFD];
	_ =	sdelay $0x3  }
0x9e: {  	_ =	strace s6  }
0x9f: {  	_ =	strace $0x8FFFFFFF  }
0xa0: {  	s19 =	sld [smem:$0x3FDB];
	_ =	sdelay $0x1  }
0xa1: {  	s20 =	simm.s32 $_scs_section_size  }
0xa2: {  	s8 =	simm.s32 $_size__tile_overlayer_lowered;
	s9 =	simm.s32 $_tile_overlayer_lowered  }
0xa3: {  	s23 =	simm.s32 $0x1BFF;
	s22 =	sshll.u32 s9, $0x1;
	s6 =	sadd.s32 s20, s19  }
0xa4: {  	s10 =	simm.s32 $0x0;
	s21 =	sshll.u32 s8, $0x1;
	s8 =	sadd.s32 s22, s6  }
0xa5: {  	[timem:s10], [sflag:s23] =	dma.local [hbm:s8], s21  }
0xa6: {  	_ =	swait.ge [sflag:s23], s21  }
0xa7: {  	s7 =	ssub.s32 $0x0, s21;
	[sflag:s23] =	ssyncset.done $0x0  }
0xa8: {  	[sflag:s23] =	ssyncadd.s32 s7;
	_ =	sdelay $0x1  }
0xa9: {  	s24 =	simm.s32 $0x1B8B  }
0xaa: {  	_ =	swait.ge [sflag:s24], $0x1  }
0xab: {  	[sflag:s24] =	ssyncset.done $0x0  }
0xac: {  	s25 =	simm.s32 $0x1B8E;
	[sflag:s24] =	ssyncadd.s32 $0xFFFFFFFF  }
0xad: {  	s26 =	simm.s32 $execute0_lowered;
	[smem:$0x3FD2] =	sst s25  }
0xae: {  	s7 =	sshll.u32 s26, $0x1;
	_ =	strace $0x80000046;
	[dreg:$0x1] =	wrdreg $0xFFFFFFFF  }
0xaf: {  	s28 =	simm.s32 $_size_execute0_lowered;
	s6 =	sadd.s32 s6, s7;
	[dreg:$0x0] =	wrdreg $0x0  }
0xb0: {  	s7 =	sshll.u32 s28, $0x1;
	[dreg:$0x2] =	wrdreg s6  }
0xb1: {  	[dreg:$0x3] =	wrdreg s7  }
0xb2: {  	[dreg:$0x4] =	wrdreg $0xC0  }
0xb3: {  	_ =	task [dreg:s10], $0x5FFFF  }
0xb4: {  	[dreg:$0x1] =	wrdreg $0xFFFFFFFF  }
0xb5: {  	[dreg:$0x0] =	wrdreg $0x60  }
0xb6: {  	[dreg:$0x2] =	wrdreg s16  }
0xb7: {  	[dreg:$0x3] =	wrdreg s4  }
0xb8: {  	[dreg:$0x4] =	wrdreg s5  }
0xb9: {  	[dreg:$0x5] =	wrdreg s17  }
0xba: {  	[dreg:$0x6] =	wrdreg $0x3B000  }
0xbb: {  	[dreg:$0x7] =	wrdreg $0x9  }
0xbc: {  	_ =	task.clear_ibuf [dreg:s10], $0x8FFFF;
	_ =	strace $0x90000046  }
0xbd: {  	s29 =	simm.s32 $0x9;
	_ =	strace $0x80000048  }
0xbe: {  	_ =	swait.ge [sflag:s29], $0x1  }
0xbf: {  	[sflag:s29] =	ssyncadd.s32 $0xFFFFFFFF  }
0xc0: {  	_ =	strace $0x90000048  }
0xc1: {  	_ =	sfence  }
0xc2: {  	s30 =	sld [smem:$0x0];
	_ =	sdelay $0x2  }
0xc3: {  	s31 =	sshll.u32 s1, $0xD;
	s1 =	sshrl.u32 s1, $0x2  }
0xc4: {  	s3 =	sand.u32 $0x4000, s31;
	s1 =	sadd.s32 s1, s30  }
0xc5: {  	s0 =	sor.u32 s3, s0;
	s1 =	sshll.u32 s1, $0x11  }
0xc6: {  	s0 =	sor.u32 s1, s0  }
0xc7: {  	s0 =	sadd.s32 $0x8F2B, s0  }
0xc8: {  	[sflag:s0] =	ssyncadd.remote.s32 $0x1  }
0xc9: {  	_ =	sfence.sel $0xFFFF  }
0xca: {  	[dreg:$0x0] =	wrdreg $0xFFFFFFFF;
	(pc) =	sbr.abs _section_cstart, $3  }
0xcb: {  	[dreg:$0x1] =	wrdreg $0xFFFFFFFF  }
0xcc: {  	_ =	task.clear_ibuf [dreg:s10], $0x2FFFF;
	_ =	strace $0x9FFFFFFF  }
0xcd: {  	(tm) =	ssettm $0x7FFFFFFF  }
tec
execute0_lowered:
.L_overlay_start_1:
0x0: {  	(tag) =	ssettag $0x1  }
0x1: {  	s10 =	rddreg [dreg:$0x0]  }
0x2: {  	s11 =	rddreg [dreg:$0x1]  }
0x3: {  	s1 =	rddreg [dreg:$0x2]  }
0x4: {  	s14 =	rddreg [dreg:$0x3]  }
0x5: {  	s13 =	rddreg [dreg:$0x4]  }
0x6: {  	s0 =	rddreg [dreg:$0x5];
	s3 =	simm.s32 $0x0  }
0x7: {  	s4 =	srdreg.scid;
	s2 =	stileid.u32;
	s20 =	simm.s32 $0x0  }
0x8: {  	[smem:$0x7FF] =	sst s3;
	s4 =	sand.u32 $0x1, s4;
	s12 =	sshrl.u32 s2, $0x2  }
0x9: {  	s18 =	sand.u32 $0x3, s2;
	s17 =	sshll.u32 s2, $0x7;
	s5 =	ssub.s32 $0x2, s4  }
0xa: {  	s4 =	sshll.u32 s4, $0x9;
	s6 =	sshll.u32 s12, $0x7;
	_ =	strace $0x80000047  }
0xb: {  	s19 =	sshll.u32 s12, $0x9;
	s12 =	sadd.s32 s17, s13;
	p0 =	sgt.s32 s18, $0x1  }
0xc: {  	s17 =	simm.s32 $0x1;
	p5 =	sne.s32 s18, $0x0;
	s7 =	sshrl.u32 s5, $0x1  }
0xd: {  	s15 =	sor.u32 s4, s6;
	s13 =	sadd.s32 s19, s13;
	p2 =	seq.s32 @p0 s18, $0x2  }
0xe: {  	p4 =	seq.s32 @!p0 s18, $0x0;
	s18 =	simm.s32 @!p5 $0x0;
	s19 =	simm.s32 $0x3880  }
0xf: {  	s16 =	ssub.s32 s5, s7;
	s30 =	sor.u32 $0x4C00, s15;
	s31 =	sor.u32 $0x3400, s15  }
0x10: {  	s9 =	sor.u32 $0x1C00, s15;
	p1 =	por !p2, !p0;
	p2 =	por p2, !p0  }
0x11: {  	p3 =	por !p4, p0;
	p4 =	por p4, p0;
	s18 =	simm.s32 @p5 $0x1  }
.Ltmp0:
0x12: {  	s4 =	sadd.s32 s10, s30;
	s5 =	sadd.s32 s11, s30;
	(pc) =	sbr.rel .LBB2_1-.Ltmp0, $4  }
0x13: {  	s6 =	sadd.s32 s10, s31;
	s7 =	sadd.s32 s11, s31;
	s8 =	sadd.s32 s10, s9  }
0x14: {  	s9 =	sadd.s32 s11, s9;
	s10 =	sadd.s32 s10, s15;
	s11 =	sadd.s32 s11, s15  }
0x15: {  	s15 =	sshrl.u32 s15, $0x3;
	[smem:$0x7FD] =	sst s18;
	s18 =	simm.s32 $0x3A80  }
0x16: {  	s14 =	sadd.s32 s14, s15;
	s15 =	smax.u32 s16, $0x1;
	s16 =	simm.s32 $0x3800  }
.LBB2_8:
0x17: {  	s20 =	sadd.s32 $0x1, s20  }
0x18: {  	p5 =	sne.s32 s20, s15  }
.Ltmp1:
0x19: {  	_ = 	snop;
	(pc) =	sbr.rel @!p5 .LBB2_9-.Ltmp1, $1  }
0x1a: {  	_ =	sdelay $0x3  }
.LBB2_1:
0x1b: {  	[tilespmem:s16], [sflag:$0x1] =	stream.linear.gather [hbm4b:s1+s3], $0x80, $0x38;
	[tilespmem:$0x3B80] =	vst v63  }
0x1c: {  	_ =	swait.ge [sflag:s17], $0x80  }
0x1d: {  	s21 =	simm.s32 @!p1 $0x400;
	[sflag:s17] =	ssyncset.done $0x0  }
0x1e: {  	s22 =	simm.s32 @!p1 $0x2000;
	s23 =	simm.s32 @!p1 $0x0;
	[sflag:s17] =	ssyncadd.s32 $0xFFFFFF80  }
0x1f: {  	[tilespmem:s23], [sflag:$0x1] =	stream.strided.gather @!p1 [hbm4b:s6+s21], $0x1800, s22, s21, $0x38;
	[tilespmem:$0x3B80] =	vst v63  }
0x20: {  	s23 =	simm.s32 @!p1 $0x1  }
0x21: {  	_ =	swait.ge @!p1 [sflag:s23], $0x1800  }
0x22: {  	[sflag:s23] =	ssyncset.done @!p1 $0x0  }
0x23: {  	s24 =	simm.s32 @!p1 $0x1C00;
	[sflag:s23] =	ssyncadd.s32 @!p1 $0xFFFFE800  }
0x24: {  	[tilespmem:s24], [sflag:$0x1] =	stream.strided.gather @!p1 [hbm4b:s7+s21], $0x1800, s22, s21, $0x38;
	[tilespmem:$0x3B80] =	vst v63  }
0x25: {  	_ =	swait.ge @!p1 [sflag:s23], $0x1800  }
0x26: {  	s21 =	simm.s32 @!p2 $0x400;
	[sflag:s23] =	ssyncset.done @!p1 $0x0  }
0x27: {  	s22 =	simm.s32 @!p2 $0x2000;
	[sflag:s23] =	ssyncadd.s32 @!p1 $0xFFFFE800;
	s23 =	simm.s32 @!p2 $0x0  }
0x28: {  	[tilespmem:s23], [sflag:$0x1] =	stream.strided.gather @!p2 [hbm4b:s4+s21], $0x1800, s22, s21, $0x38;
	[tilespmem:$0x3B80] =	vst v63  }
0x29: {  	s23 =	simm.s32 @!p2 $0x1  }
0x2a: {  	_ =	swait.ge @!p2 [sflag:s23], $0x1800  }
0x2b: {  	[sflag:s23] =	ssyncset.done @!p2 $0x0  }
0x2c: {  	s24 =	simm.s32 @!p2 $0x1C00;
	[sflag:s23] =	ssyncadd.s32 @!p2 $0xFFFFE800  }
0x2d: {  	[tilespmem:s24], [sflag:$0x1] =	stream.strided.gather @!p2 [hbm4b:s5+s21], $0x1800, s22, s21, $0x38;
	[tilespmem:$0x3B80] =	vst v63  }
0x2e: {  	_ =	swait.ge @!p2 [sflag:s23], $0x1800  }
0x2f: {  	s21 =	simm.s32 @!p3 $0x400;
	[sflag:s23] =	ssyncset.done @!p2 $0x0  }
0x30: {  	s22 =	simm.s32 @!p3 $0x2000;
	[sflag:s23] =	ssyncadd.s32 @!p2 $0xFFFFE800;
	s23 =	simm.s32 @!p3 $0x0  }
0x31: {  	[tilespmem:s23], [sflag:$0x1] =	stream.strided.gather @!p3 [hbm4b:s10+s21], $0x1C00, s22, s21, $0x38;
	[tilespmem:$0x3B80] =	vst v63  }
0x32: {  	s23 =	simm.s32 @!p3 $0x1  }
0x33: {  	_ =	swait.ge @!p3 [sflag:s23], $0x1C00  }
0x34: {  	[sflag:s23] =	ssyncset.done @!p3 $0x0  }
0x35: {  	s24 =	simm.s32 @!p3 $0x1C00;
	[sflag:s23] =	ssyncadd.s32 @!p3 $0xFFFFE400  }
0x36: {  	[tilespmem:s24], [sflag:$0x1] =	stream.strided.gather @!p3 [hbm4b:s11+s21], $0x1C00, s22, s21, $0x38;
	[tilespmem:$0x3B80] =	vst v63  }
0x37: {  	_ =	swait.ge @!p3 [sflag:s23], $0x1C00  }
0x38: {  	s21 =	simm.s32 @!p4 $0x400;
	s22 =	simm.s32 @!p4 $0x2000;
	[sflag:s23] =	ssyncset.done @!p3 $0x0  }
0x39: {  	s24 =	simm.s32 @!p4 $0x1;
	[sflag:s23] =	ssyncadd.s32 @!p3 $0xFFFFE400;
	s23 =	simm.s32 @!p4 $0x0  }
0x3a: {  	[tilespmem:s23], [sflag:$0x1] =	stream.strided.gather @!p4 [hbm4b:s8+s21], $0x1800, s22, s21, $0x38;
	[tilespmem:$0x3B80] =	vst v63  }
0x3b: {  	_ =	swait.ge @!p4 [sflag:s24], $0x1800  }
0x3c: {  	[sflag:s24] =	ssyncset.done @!p4 $0x0  }
0x3d: {  	s23 =	simm.s32 @!p4 $0x1C00;
	[sflag:s24] =	ssyncadd.s32 @!p4 $0xFFFFE800  }
0x3e: {  	[tilespmem:s23], [sflag:$0x1] =	stream.strided.gather @!p4 [hbm4b:s9+s21], $0x1800, s22, s21, $0x38;
	[tilespmem:$0x3B80] =	vst v63  }
0x3f: {  	s21 =	simm.s32 @!p1 $0x30;
	s23 =	simm.s32 @!p3 $0x38  }
0x40: {  	s21 =	simm.s32 @p1 $0x30;
	s23 =	simm.s32 @p3 $0x30  }
0x41: {  	s23 =	smov.u32 @p0 s21  }
0x42: {  	p5 =	sne.s32 s23, $0x1  }
.Ltmp2:
0x43: {  	_ = 	snop;
	(pc) =	sbr.rel @!p5 .LBB2_2-.Ltmp2, $4  }
0x44: {  	_ =	swait.ge @!p4 [sflag:s24], $0x1800  }
0x45: {  	[sflag:s24] =	ssyncset.done @!p4 $0x0  }
0x46: {  	s22 =	simm.s32 $0x40;
	[sflag:s24] =	ssyncadd.s32 @!p4 $0xFFFFE800  }
0x47: {  	v0 =	vimm.f32 $0.0e+00;
	p6 =	por $0x0, $0x0;
	s21 =	simm.s32 $0x1C40;
	s23 =	sadd.s32 $0xFFFFFFFF, s23;
	v13 =	vld [tilespmem:s22+$0x30]  }
0x48: {  	v1 =	vld [tilespmem:s22+$0xFFFFFFD0]  }
0x49: {  	v2 =	vld [tilespmem:s22+$0xFFFFFFE0]  }
0x4a: {  	v3 =	vld [tilespmem:s22+$0xFFFFFFF0]  }
0x4b: {  	v4 =	vld [tilespmem:s22+$0x0]  }
0x4c: {  	v5 =	vld [tilespmem:s22+$0x10]  }
0x4d: {  	v6 =	vld [tilespmem:s22+$0xFFFFFFC0]  }
0x4e: {  	v7 =	vld [tilespmem:s22+$0x20]  }
0x4f: {  	v12 =	vld [tilespmem:s21+$0x30]  }
0x50: {  	v14 =	vld [tilespmem:s21+$0xFFFFFFF0]  }
0x51: {  	v9 =	vld.idx.msk [tilespmem:v13+s16+$0x0], $0xffff  }
0x52: {  	v13 =	vld.idx.msk [tilespmem:v1+s16+$0x0], $0xffff  }
0x53: {  	v17 =	vld.idx.msk [tilespmem:v2+s16+$0x0], $0xffff  }
0x54: {  	v8 =	vld.idx.msk [tilespmem:v3+s16+$0x0], $0xffff  }
0x55: {  	v10 =	vld.idx.msk [tilespmem:v4+s16+$0x0], $0xffff  }
0x56: {  	v1 =	vld.idx.msk [tilespmem:v6+s16+$0x0], $0xffff  }
0x57: {  	v2 =	vld [tilespmem:s21+$0xFFFFFFC0]  }
0x58: {  	v3 =	vld [tilespmem:s21+$0xFFFFFFD0]  }
0x59: {  	v4 =	vld [tilespmem:s21+$0xFFFFFFE0]  }
0x5a: {  	v16 =	vld [tilespmem:s21+$0x0];
	p5 =	sne.s32 s23, $0x1  }
.Ltmp3:
0x5b: {  	v11 =	vld.idx.msk [tilespmem:v5+s16+$0x0], $0xffff;
	v5 =	vmul.f32 v12, v9;
	(pc) =	sbr.rel @!p5 .LBB2_4-.Ltmp3, $4  }
0x5c: {  	v6 =	vimm.f32 $0.0e+00;
	v12 =	vld.idx.msk [tilespmem:v7+s16+$0x0], $0xffff;
	v7 =	vimm.f32 $0.0e+00  }
0x5d: {  	v15 =	vld [tilespmem:s21+$0x10];
	v9 =	vimm.f32 $0.0e+00;
	v2 =	vmul.f32 v2, v1;
	v1 =	vadd.f32 v5, v0  }
0x5e: {  	s22 =	simm.s32 $0xC0;
	v18 =	vmul.f32 v3, v13;
	v19 =	vmul.f32 v4, v17;
	v17 =	vld [tilespmem:s21+$0x20];
	v5 =	vimm.f32 $0.0e+00  }
0x5f: {  	s24 =	sadd.s32 $0xFFFFFFFF, s23;
	p6 =	por $0x1, $0x1;
	s23 =	simm.s32 $0x1C40;
	v4 =	vimm.f32 $0.0e+00;
	v3 =	vimm.f32 $0.0e+00;
	v13 =	vld [tilespmem:s22+$0x30];
	v2 =	vadd.f32 v2, v0  }
.LBB2_5:
0x60: {  	p5 =	sne.s32 s24, $0x1;
	v20 =	vld [tilespmem:s22+$0xFFFFFFD0];
	v5 =	vadd.f32 v18, v5;
	v8 =	vmul.f32 v14, v8  }
0x61: {  	v14 =	vld [tilespmem:s22+$0xFFFFFFE0];
	v4 =	vadd.f32 v19, v4;
	v10 =	vmul.f32 v16, v10  }
0x62: {  	v16 =	vld [tilespmem:s22+$0xFFFFFFF0];
	v3 =	vadd.f32 v8, v3;
	v8 =	vmul.f32 v15, v11  }
0x63: {  	v11 =	vld [tilespmem:s22+$0x0];
	v6 =	vadd.f32 v10, v6;
	v10 =	vmul.f32 v17, v12  }
0x64: {  	v12 =	vld [tilespmem:s22+$0x10];
	v7 =	vadd.f32 v8, v7  }
0x65: {  	v15 =	vld [tilespmem:s22+$0x20];
	v9 =	vadd.f32 v10, v9  }
0x66: {  	v17 =	vld [tilespmem:s22+$0xFFFFFFC0]  }
0x67: {  	s23 =	sadd.s32 $0x80, s23;
	v13 =	vld.idx.msk [tilespmem:v13+s16+$0x0], $0xffff  }
0x68: {  	v18 =	vld [tilespmem:s23+$0x30]  }
0x69: {  	v19 =	vld.idx.msk [tilespmem:v20+s16+$0x0], $0xffff  }
0x6a: {  	v20 =	vld.idx.msk [tilespmem:v14+s16+$0x0], $0xffff  }
0x6b: {  	v8 =	vld.idx.msk [tilespmem:v16+s16+$0x0], $0xffff  }
0x6c: {  	v10 =	vld.idx.msk [tilespmem:v11+s16+$0x0], $0xffff  }
0x6d: {  	v11 =	vld.idx.msk [tilespmem:v12+s16+$0x0], $0xffff;
	v13 =	vmul.f32 v18, v13  }
0x6e: {  	v17 =	vld.idx.msk [tilespmem:v17+s16+$0x0], $0xffff  }
0x6f: {  	v12 =	vld.idx.msk [tilespmem:v15+s16+$0x0], $0xffff;
	v1 =	vadd.f32 v13, v1  }
0x70: {  	v13 =	vld [tilespmem:s23+$0xFFFFFFC0]  }
0x71: {  	v18 =	vld [tilespmem:s23+$0xFFFFFFD0]  }
0x72: {  	v21 =	vld [tilespmem:s23+$0xFFFFFFE0]  }
.Ltmp4:
0x73: {  	v14 =	vld [tilespmem:s23+$0xFFFFFFF0];
	(pc) =	sbr.rel @p5 .LBB2_5-.Ltmp4, $4  }
0x74: {  	v16 =	vld [tilespmem:s23+$0x0]  }
0x75: {  	v22 =	vmul.f32 v13, v17;
	v15 =	vld [tilespmem:s23+$0x10]  }
0x76: {  	s22 =	sadd.s32 $0x80, s22;
	v18 =	vmul.f32 v18, v19;
	v17 =	vld [tilespmem:s23+$0x20]  }
0x77: {  	s24 =	sadd.s32 $0xFFFFFFFF, s24;
	v13 =	vld [tilespmem:s22+$0x30];
	v2 =	vadd.f32 v22, v2;
	v19 =	vmul.f32 v21, v20  }
.LBB2_6:
0x78: {  	v20 =	vld [tilespmem:s22+$0xFFFFFFD0]  }
0x79: {  	v21 =	vld [tilespmem:s22+$0xFFFFFFE0]  }
0x7a: {  	v22 =	vld [tilespmem:s22+$0xFFFFFFF0]  }
0x7b: {  	v23 =	vld [tilespmem:s22+$0x0]  }
0x7c: {  	v24 =	vld [tilespmem:s22+$0x10]  }
0x7d: {  	v25 =	vld [tilespmem:s22+$0xFFFFFFC0]  }
0x7e: {  	v26 =	vld [tilespmem:s22+$0x20];
	s22 =	sadd.s32 @p6 $0x80, s23  }
0x7f: {  	s21 =	smov.u32 @p6 s22  }
0x80: {  	v27 =	vld [tilespmem:s21+$0xFFFFFFC0]  }
0x81: {  	v28 =	vld [tilespmem:s21+$0xFFFFFFD0]  }
0x82: {  	v29 =	vld [tilespmem:s21+$0xFFFFFFE0]  }
0x83: {  	v48 =	vld [tilespmem:s21+$0xFFFFFFF0]  }
0x84: {  	v49 =	vld [tilespmem:s21+$0x0]  }
0x85: {  	v51 =	vld [tilespmem:s21+$0x10]  }
0x86: {  	v53 =	vld [tilespmem:s21+$0x20]  }
0x87: {  	v55 =	vld [tilespmem:s21+$0x30]  }
0x88: {  	v13 =	vld.idx.msk [tilespmem:v13+s16+$0x0], $0xffff  }
0x89: {  	v25 =	vld.idx.msk [tilespmem:v25+s16+$0x0], $0xffff  }
0x8a: {  	v8 =	vmul.f32 @p6 v14, v8;
	v20 =	vld.idx.msk [tilespmem:v20+s16+$0x0], $0xffff  }
0x8b: {  	v5 =	vadd.f32 @p6 v18, v5;
	v10 =	vmul.f32 @p6 v16, v10;
	v21 =	vld.idx.msk [tilespmem:v21+s16+$0x0], $0xffff  }
0x8c: {  	v4 =	vadd.f32 @p6 v19, v4;
	v11 =	vmul.f32 @p6 v15, v11;
	v3 =	vadd.f32 @p6 v8, v3;
	v22 =	vld.idx.msk [tilespmem:v22+s16+$0x0], $0xffff  }
0x8d: {  	v5 =	vpsel p6, v5, v0;
	v12 =	vmul.f32 @p6 v17, v12;
	v26 =	vld.idx.msk [tilespmem:v26+s16+$0x0], $0xffff;
	v62 =	vmul.f32 v55, v13  }
0x8e: {  	v6 =	vadd.f32 @p6 v10, v6;
	v4 =	vpsel p6, v4, v0;
	v23 =	vld.idx.msk [tilespmem:v23+s16+$0x0], $0xffff;
	v50 =	vmul.f32 v27, v25  }
0x8f: {  	v7 =	vadd.f32 @p6 v11, v7;
	v24 =	vld.idx.msk [tilespmem:v24+s16+$0x0], $0xffff;
	v1 =	vadd.f32 v62, v1;
	v52 =	vmul.f32 v28, v20  }
0x90: {  	v3 =	vpsel p6, v3, v0;
	v54 =	vmul.f32 v29, v21;
	v2 =	vadd.f32 v50, v2  }
0x91: {  	v9 =	vadd.f32 @p6 v12, v9;
	v56 =	vmul.f32 v48, v22;
	[tilespmem:$0x3AF0] =	vst v1;
	v5 =	vadd.f32 v52, v5  }
0x92: {  	v58 =	vpsel p6, v6, v0;
	v61 =	vmul.f32 v53, v26;
	v4 =	vadd.f32 v54, v4;
	[tilespmem:$0x3A80] =	vst v2  }
0x93: {  	v63 =	vpsel p6, v9, v0;
	v57 =	vmul.f32 v49, v23;
	v3 =	vadd.f32 v56, v3;
	[tilespmem:$0x3A90] =	vst v5  }
0x94: {  	v60 =	vpsel p6, v7, v0;
	v59 =	vmul.f32 v51, v24;
	v0 =	vadd.f32 v61, v63;
	[tilespmem:$0x3AA0] =	vst v4  }
0x95: {  	v2 =	vadd.f32 v57, v58;
	[tilespmem:$0x3AB0] =	vst v3  }
0x96: {  	v5 =	vadd.f32 v59, v60;
	[tilespmem:$0x3AE0] =	vst v0  }
0x97: {  	[tilespmem:$0x3AC0] =	vst v2  }
0x98: {  	[tilespmem:$0x3AD0] =	vst v5  }
0x99: {  	[spmem:s12] =	stream.linear.scatter [tilespmem:s18], [sflag:$0x1], $0x80, $0x38;
	[tilespmem:$0x3B80] =	vst v63  }
0x9a: {  	_ =	swait.ge [sflag:s17], $0x80  }
0x9b: {  	[sflag:s17] =	ssyncset.done $0x0  }
0x9c: {  	[sflag:s17] =	ssyncadd.s32 $0xFFFFFF80  }
0x9d: {  	[bflag:$0x0] =	sbarrier.arrive $0xFFFF  }
0x9e: {  	s31 =	sld [smem:$0x7FD];
	_ =	sdelay $0x2  }
0x9f: {  	p5 =	seq.s32 s31, $0x1  }
.Ltmp5:
0xa0: {  	_ = 	snop;
	(pc) =	sbr.rel @p5 .LBB2_8-.Ltmp5, $1  }
0xa1: {  	_ =	sdelay $0x3  }
0xa2: {  	[tilespmem:s19], [sflag:$0x1] =	stream.linear.gather [spmem:s13], $0x200, $0x38;
	[tilespmem:$0x3B80] =	vst v63  }
0xa3: {  	_ =	swait.ge [sflag:s17], $0x200  }
0xa4: {  	[sflag:s17] =	ssyncset.done $0x0  }
0xa5: {  	[sflag:s17] =	ssyncadd.s32 $0xFFFFFE00  }
0xa6: {  	v0 =	vld [tilespmem:$0x3880]  }
0xa7: {  	v1 =	vld [tilespmem:$0x3900]  }
0xa8: {  	v2 =	vld [tilespmem:$0x3980]  }
0xa9: {  	v3 =	vld [tilespmem:$0x3A00]  }
0xaa: {  	v4 =	vld [tilespmem:$0x3890]  }
0xab: {  	v5 =	vld [tilespmem:$0x3910]  }
0xac: {  	v6 =	vld [tilespmem:$0x3990]  }
0xad: {  	v7 =	vld [tilespmem:$0x3A10]  }
0xae: {  	v8 =	vld [tilespmem:$0x38A0]  }
0xaf: {  	v9 =	vld [tilespmem:$0x3920]  }
0xb0: {  	v10 =	vld [tilespmem:$0x39A0]  }
0xb1: {  	v11 =	vld [tilespmem:$0x3A20]  }
0xb2: {  	v12 =	vld [tilespmem:$0x38B0]  }
0xb3: {  	v13 =	vld [tilespmem:$0x3930]  }
0xb4: {  	v14 =	vld [tilespmem:$0x39B0]  }
0xb5: {  	v15 =	vld [tilespmem:$0x3A30]  }
0xb6: {  	v16 =	vld [tilespmem:$0x38C0]  }
0xb7: {  	v17 =	vld [tilespmem:$0x3940]  }
0xb8: {  	v18 =	vld [tilespmem:$0x39C0]  }
0xb9: {  	v20 =	vld [tilespmem:$0x38D0]  }
0xba: {  	v21 =	vld [tilespmem:$0x3950]  }
0xbb: {  	v47 =	vld [tilespmem:$0x38E0]  }
0xbc: {  	v49 =	vld [tilespmem:$0x3960]  }
0xbd: {  	v22 =	vld [tilespmem:$0x39D0]  }
0xbe: {  	v46 =	vld [tilespmem:$0x3A50];
	v0 =	vadd.f32 v1, v0;
	v4 =	vadd.f32 v5, v4  }
0xbf: {  	v51 =	vld [tilespmem:$0x38F0];
	v48 =	vadd.f32 v9, v8;
	v50 =	vadd.f32 v13, v12  }
0xc0: {  	v53 =	vld [tilespmem:$0x39E0];
	v54 =	vadd.f32 v17, v16;
	v56 =	vadd.f32 v21, v20  }
0xc1: {  	v52 =	vld [tilespmem:$0x3970];
	v5 =	vadd.f32 v49, v47;
	v0 =	vadd.f32 v2, v0  }
0xc2: {  	v55 =	vld [tilespmem:$0x39F0];
	v4 =	vadd.f32 v6, v4;
	v2 =	vadd.f32 v10, v48  }
0xc3: {  	v57 =	vld [tilespmem:$0x3A60];
	v6 =	vadd.f32 v14, v50;
	v0 =	vadd.f32 v3, v0  }
0xc4: {  	v19 =	vld [tilespmem:$0x3A40];
	v60 =	vadd.f32 v22, v56;
	v4 =	vadd.f32 v7, v4  }
0xc5: {  	v59 =	vld [tilespmem:$0x3A70];
	v61 =	vadd.f32 v53, v5;
	v2 =	vadd.f32 v11, v2;
	[tilespmem:$0x3A80] =	vst v0  }
0xc6: {  	v6 =	vadd.f32 v15, v6;
	v3 =	vadd.f32 v52, v51;
	[tilespmem:$0x3A90] =	vst v4  }
0xc7: {  	v58 =	vadd.f32 v18, v54;
	v1 =	vadd.f32 v46, v60;
	[tilespmem:$0x3AA0] =	vst v2  }
0xc8: {  	v62 =	vadd.f32 v57, v61;
	[tilespmem:$0x3AB0] =	vst v6;
	v3 =	vadd.f32 v55, v3  }
0xc9: {  	v0 =	vadd.f32 v19, v58;
	[tilespmem:$0x3AD0] =	vst v1  }
0xca: {  	[tilespmem:$0x3AE0] =	vst v62;
	v63 =	vadd.f32 v59, v3  }
0xcb: {  	[tilespmem:$0x3AC0] =	vst v0  }
.Ltmp6:
0xcc: {  	[tilespmem:$0x3AF0] =	vst v63;
	(pc) =	sbr.rel .LBB2_8-.Ltmp6, $4  }
0xcd: {  	[hbm4b:s14+s3] =	stream.linear.scatter [tilespmem:s18], [sflag:$0x1], $0x80, $0x38;
	[tilespmem:$0x3B80] =	vst v63  }
0xce: {  	_ =	swait.ge [sflag:s17], $0x80  }
0xcf: {  	[sflag:s17] =	ssyncset.done $0x0  }
0xd0: {  	[sflag:s17] =	ssyncadd.s32 $0xFFFFFF80  }
.LBB2_2:
.Ltmp7:
0xd1: {  	(pc) =	sbr.rel .LBB2_6-.Ltmp7, $4  }
0xd2: {  	_ = 	snop  }
0xd3: {  	v5 =	vimm.f32 $0.0e+00;
	v4 =	vimm.f32 $0.0e+00  }
0xd4: {  	v3 =	vimm.f32 $0.0e+00;
	v6 =	vimm.f32 $0.0e+00;
	v7 =	vimm.f32 $0.0e+00  }
0xd5: {  	v9 =	vimm.f32 $0.0e+00;
	s23 =	simm.s32 $0x1C40;
	v1 =	vimm.f32 $0.0e+00;
	v2 =	vimm.f32 $0.0e+00  }
.LBB2_4:
.Ltmp8:
0xd6: {  	(pc) =	sbr.rel .LBB2_6-.Ltmp8, $3  }
0xd7: {  	_ =	sdelay $0x1  }
0xd8: {  	v5 =	vimm.f32 $0.0e+00;
	v4 =	vimm.f32 $0.0e+00;
	v3 =	vimm.f32 $0.0e+00  }
0xd9: {  	v6 =	vimm.f32 $0.0e+00;
	v7 =	vimm.f32 $0.0e+00;
	v9 =	vimm.f32 $0.0e+00;
	s23 =	simm.s32 $0x1C40  }
.LBB2_9:
0xda: {  	_ =	sfence.sel $0x180000  }
0xdb: {  	[bflag:$0x0] =	sbarrier.arrive $0xFFFF  }
0xdc: {  	p0 =	sne.s32 s2, $0x0;
	_ =	strace $0x90000047  }
0xdd: {  	s0 =	sadd.s32 @!p0 $0x100000, s0;
	[bflag:$0x2] =	sbarrier.arrive $0xFFFF  }
0xde: {  	[sflag:s0] =	ssyncadd.tile.s32 @!p0 $0x1;
	_ =	shalt  }
.Lfunc_end2:
_tile_overlayer_lowered:
.L_overlay_start_2:
0xdf: {  	(tag) =	ssettag $0x2  }
0xe0: {  	s0 =	rddreg [dreg:$0x0];
	s2 =	stileid.u32  }
0xe1: {  	s1 =	rddreg [dreg:$0x1];
	p0 =	sne.s32 s2, $0x0  }
0xe2: {  	s3 =	rddreg [dreg:$0x2];
	[bflag:$0x3] =	sbarrier.arrive $0xFFFF;
	s2 =	simm.s32 @!p0 $0x1C01  }
0xe3: {  	[timem:s3], [sflag:s2] =	dma.local @!p0 [hbm:s0], s1  }
0xe4: {  	s0 =	simm.s32 @!p0 $0x1  }
0xe5: {  	_ =	swait.ge @!p0 [sflag:s0], s1  }
0xe6: {  	s1 =	ssub.s32 @!p0 $0x0, s1;
	[sflag:s0] =	ssyncset.done @!p0 $0x0  }
0xe7: {  	[sflag:s0] =	ssyncadd.s32 @!p0 s1  }
0xe8: {  	[bflag:$0x3] =	sbarrier.arrive $0xFFFF  }
0xe9: {  	_ =	shalt  }

</sc_bundles>
